<compile_context>
chip_gen: v7x
topology: tpu7x:2x2x1
jax: 0.10.2.dev20260603
libtpu: 0.0.44.dev20260713+nightly
codegen_flags: <defaults>
</compile_context>

<pallas_src>
import functools

import jax
import jax.numpy as jnp
from jax import lax
from jax.experimental import pallas as pl
from jax.experimental.pallas import tpu as pltpu
from jax.experimental.pallas import tpu_sc as plsc

NB_LINKS = 1024
K = 1024
D = 64
NB_Z = 16
H = 2048
BATCH = 1024

MBLK = 256
VQBLK = 2048


def _mlp3_body(x_ref, W0_ref, b0_ref, W1_ref, b1_ref, W2_ref, b2_ref, out_ref):
    dn = (((1,), (1,)), ((), ()))
    h = lax.dot_general(x_ref[...], W0_ref[...], dn,
                        preferred_element_type=jnp.float32)
    h = jnp.maximum(h + b0_ref[...][None, :], 0.0)
    h = lax.dot_general(h, W1_ref[...], dn, preferred_element_type=jnp.float32)
    h = jnp.maximum(h + b1_ref[...][None, :], 0.0)
    h = lax.dot_general(h, W2_ref[...], dn, preferred_element_type=jnp.float32)
    out_ref[...] = h + b2_ref[...][None, :]


def _mlp3_call(x, W0, b0, W1, b1, W2, b2):
    m = x.shape[0]
    out_d = W2.shape[0]
    grid = (m // MBLK,)
    return pl.pallas_call(
        _mlp3_body,
        grid=grid,
        in_specs=[
            pl.BlockSpec((MBLK, x.shape[1]), lambda i: (i, 0)),
            pl.BlockSpec(W0.shape, lambda i: (0, 0)),
            pl.BlockSpec(b0.shape, lambda i: (0,)),
            pl.BlockSpec(W1.shape, lambda i: (0, 0)),
            pl.BlockSpec(b1.shape, lambda i: (0,)),
            pl.BlockSpec(W2.shape, lambda i: (0, 0)),
            pl.BlockSpec(b2.shape, lambda i: (0,)),
        ],
        out_specs=pl.BlockSpec((MBLK, out_d), lambda i: (i, 0)),
        out_shape=jax.ShapeDtypeStruct((m, out_d), jnp.float32),
        compiler_params=pltpu.CompilerParams(
            vmem_limit_bytes=110 * 1024 * 1024,
        ),
    )(x, W0, b0, W1, b1, W2, b2)


def _dec_body(ze_ref, zq_ref, W0_ref, b0_ref, W1_ref, b1_ref, W2_ref, b2_ref,
              st_ref, out_ref):
    ze = ze_ref[...]
    zq = zq_ref[...]
    st = ze + (zq - ze)
    st_ref[...] = st
    dn = (((1,), (1,)), ((), ()))
    h = lax.dot_general(st, W0_ref[...], dn, preferred_element_type=jnp.float32)
    h = jnp.maximum(h + b0_ref[...][None, :], 0.0)
    h = lax.dot_general(h, W1_ref[...], dn, preferred_element_type=jnp.float32)
    h = jnp.maximum(h + b1_ref[...][None, :], 0.0)
    h = lax.dot_general(h, W2_ref[...], dn, preferred_element_type=jnp.float32)
    out_ref[...] = h + b2_ref[...][None, :]


def _dec_call(ze, zq, W0, b0, W1, b1, W2, b2):
    m = ze.shape[0]
    out_d = W2.shape[0]
    grid = (m // MBLK,)
    return pl.pallas_call(
        _dec_body,
        grid=grid,
        in_specs=[
            pl.BlockSpec((MBLK, ze.shape[1]), lambda i: (i, 0)),
            pl.BlockSpec((MBLK, zq.shape[1]), lambda i: (i, 0)),
            pl.BlockSpec(W0.shape, lambda i: (0, 0)),
            pl.BlockSpec(b0.shape, lambda i: (0,)),
            pl.BlockSpec(W1.shape, lambda i: (0, 0)),
            pl.BlockSpec(b1.shape, lambda i: (0,)),
            pl.BlockSpec(W2.shape, lambda i: (0, 0)),
            pl.BlockSpec(b2.shape, lambda i: (0,)),
        ],
        out_specs=[
            pl.BlockSpec((MBLK, ze.shape[1]), lambda i: (i, 0)),
            pl.BlockSpec((MBLK, out_d), lambda i: (i, 0)),
        ],
        out_shape=[
            jax.ShapeDtypeStruct((m, ze.shape[1]), jnp.float32),
            jax.ShapeDtypeStruct((m, out_d), jnp.float32),
        ],
        compiler_params=pltpu.CompilerParams(
            vmem_limit_bytes=110 * 1024 * 1024,
        ),
    )(ze, zq, W0, b0, W1, b1, W2, b2)


def _rowsq64(x2):
    p = x2[:, 0:8]
    for j in range(1, 8):
        p = p + x2[:, 8 * j:8 * j + 8]
    t = p[:, 0:4] + p[:, 4:8]
    t = t[:, 0:2] + t[:, 2:4]
    return t[:, 0:1] + t[:, 1:2]


def _colsq64(y2):
    p = y2[0:8, :]
    for j in range(1, 8):
        p = p + y2[8 * j:8 * j + 8, :]
    t = p[0:4, :] + p[4:8, :]
    t = t[0:2, :] + t[2:4, :]
    return t[0:1, :] + t[1:2, :]


def _vq_body(f_ref, cb_ref, cbT_ref, idx_ref):
    f = f_ref[...]
    cb = cb_ref[...]
    cbT = cbT_ref[...]
    dn = (((1,), (1,)), ((), ()))
    mm = lax.dot_general(f, cb, dn, preferred_element_type=jnp.float32)
    ss = _rowsq64(f * f)
    cc = _colsq64(cbT * cbT)
    d2 = ss + cc - 2.0 * mm
    dist = jnp.sqrt(jnp.maximum(d2, 0.0))
    m = jnp.min(dist, axis=1, keepdims=True)
    iota = lax.broadcasted_iota(jnp.int32, dist.shape, 1)
    hit = jnp.where(dist == m, iota, jnp.int32(dist.shape[1]))
    idx_ref[...] = jnp.min(hit, axis=1).astype(jnp.int32)


def _vq_call(flat, cb, cbT):
    n = flat.shape[0]
    grid = (n // VQBLK,)
    return pl.pallas_call(
        _vq_body,
        grid=grid,
        in_specs=[
            pl.BlockSpec((VQBLK, D), lambda i: (i, 0)),
            pl.BlockSpec((K, D), lambda i: (0, 0)),
            pl.BlockSpec((D, K), lambda i: (0, 0)),
        ],
        out_specs=pl.BlockSpec((VQBLK,), lambda i: (i,)),
        out_shape=jax.ShapeDtypeStruct((n,), jnp.int32),
        compiler_params=pltpu.CompilerParams(
            vmem_limit_bytes=110 * 1024 * 1024,
        ),
    )(flat, cb, cbT)


def _encvq_body(x_ref, W0_ref, b0_ref, W1_ref, b1_ref, W2_ref, b2_ref,
                cb_ref, cbT_ref, ze_ref, idx_ref):
    dn = (((1,), (1,)), ((), ()))
    h = lax.dot_general(x_ref[...], W0_ref[...], dn,
                        preferred_element_type=jnp.float32)
    h = jnp.maximum(h + b0_ref[...][None, :], 0.0)
    h = lax.dot_general(h, W1_ref[...], dn, preferred_element_type=jnp.float32)
    h = jnp.maximum(h + b1_ref[...][None, :], 0.0)
    h = lax.dot_general(h, W2_ref[...], dn, preferred_element_type=jnp.float32)
    z = h + b2_ref[...][None, :]
    ze_ref[...] = z
    cb = cb_ref[...]
    cbT = cbT_ref[...]
    cc = _colsq64(cbT * cbT)
    cols = []
    for j in range(NB_Z):
        f = z[:, j * D:(j + 1) * D]
        mm = lax.dot_general(f, cb, dn, preferred_element_type=jnp.float32)
        ss = _rowsq64(f * f)
        d2 = ss + cc - 2.0 * mm
        dist = jnp.sqrt(jnp.maximum(d2, 0.0))
        m = jnp.min(dist, axis=1, keepdims=True)
        iota = lax.broadcasted_iota(jnp.int32, dist.shape, 1)
        hit = jnp.where(dist == m, iota, jnp.int32(dist.shape[1]))
        cols.append(jnp.min(hit, axis=1, keepdims=True).astype(jnp.int32))
    idx_ref[...] = jnp.concatenate(cols, axis=1)


def _encvq_call(x, W0, b0, W1, b1, W2, b2, cb, cbT):
    m = x.shape[0]
    out_d = W2.shape[0]
    grid = (m // MBLK,)
    return pl.pallas_call(
        _encvq_body,
        grid=grid,
        in_specs=[
            pl.BlockSpec((MBLK, x.shape[1]), lambda i: (i, 0)),
            pl.BlockSpec(W0.shape, lambda i: (0, 0)),
            pl.BlockSpec(b0.shape, lambda i: (0,)),
            pl.BlockSpec(W1.shape, lambda i: (0, 0)),
            pl.BlockSpec(b1.shape, lambda i: (0,)),
            pl.BlockSpec(W2.shape, lambda i: (0, 0)),
            pl.BlockSpec(b2.shape, lambda i: (0,)),
            pl.BlockSpec((K, D), lambda i: (0, 0)),
            pl.BlockSpec((D, K), lambda i: (0, 0)),
        ],
        out_specs=[
            pl.BlockSpec((MBLK, out_d), lambda i: (i, 0)),
            pl.BlockSpec((MBLK, NB_Z), lambda i: (i, 0)),
        ],
        out_shape=[
            jax.ShapeDtypeStruct((m, out_d), jnp.float32),
            jax.ShapeDtypeStruct((m, NB_Z), jnp.int32),
        ],
        compiler_params=pltpu.CompilerParams(
            vmem_limit_bytes=110 * 1024 * 1024,
        ),
    )(x, W0, b0, W1, b1, W2, b2, cb, cbT)


def _sc_gather(cb, idx):
    info = plsc.get_sparse_core_info()
    nw = info.num_cores * info.num_subcores
    n = idx.shape[0]
    b_per_w = n // nw
    mesh = plsc.VectorSubcoreMesh(core_axis_name="c", subcore_axis_name="s")

    @functools.partial(
        pl.kernel,
        mesh=mesh,
        out_type=jax.ShapeDtypeStruct((n, D), jnp.float32),
        scratch_types=[
            pltpu.VMEM((b_per_w,), jnp.int32),
            pltpu.VMEM((b_per_w, D), jnp.float32),
            pltpu.SemaphoreType.DMA,
        ],
        compiler_params=pltpu.CompilerParams(use_tc_tiling_on_sc=False),
    )
    def gather_kernel(table_hbm, idx_hbm, out_hbm, idx_v, rows_v, sem):
        wid = lax.axis_index("s") * info.num_cores + lax.axis_index("c")
        base = wid * b_per_w
        pltpu.sync_copy(idx_hbm.at[pl.ds(base, b_per_w)], idx_v)
        pltpu.async_copy(table_hbm.at[idx_v], rows_v, sem).wait()
        pltpu.sync_copy(rows_v, out_hbm.at[pl.ds(base, b_per_w)])

    return gather_kernel(cb, idx)


def kernel(x, codebook, eW0, eb0, eW1, eb1, eW2, eb2,
           dW0, db0, dW1, db1, dW2, db2):
    ze_flat, indices2d = _encvq_call(x, eW0, eb0, eW1, eb1, eW2, eb2,
                                     codebook, codebook.T)
    indices = indices2d.reshape(-1)
    zq_flat = _sc_gather(codebook, indices)
    st_flat, x_hat = _dec_call(ze_flat, zq_flat.reshape(BATCH, NB_Z * D),
                               dW0, db0, dW1, db1, dW2, db2)
    shape3 = (BATCH, NB_Z, D)
    return (ze_flat.reshape(shape3),
            st_flat.reshape(shape3),
            zq_flat.reshape(shape3),
            x_hat,
            indices.reshape(BATCH, NB_Z))

# --- scband reference (transcript-rebuilt; emitter-appended) ---
"""Pipeline reference for scband-vqvae-7679401525805 (READ-ONLY COPY).

The authoritative reference and input builder live on the scoring server;
editing this copy changes nothing except your own understanding.
"""

import jax, jax.numpy as jnp
import numpy as np

NB_LINKS = 1024
K = 1024
D = 64
NB_Z = 16
H = 2048
BATCH = 1024


def _lin_init(key, out_d, in_d):
    k1, k2 = jax.random.split(key)
    bound = 1.0 / np.sqrt(in_d)
    W = jax.random.uniform(k1, (out_d, in_d), minval=-bound, maxval=bound, dtype=jnp.float32)
    b = jax.random.uniform(k2, (out_d,), minval=-bound, maxval=bound, dtype=jnp.float32)
    return W, b


def setup_inputs(seed: int = 0) -> dict:
    key = jax.random.key(seed)
    ks = jax.random.split(key, 8)
    x = jax.random.normal(ks[0], (BATCH, NB_LINKS), dtype=jnp.float32)
    eW0, eb0 = _lin_init(ks[1], H, NB_LINKS)
    eW1, eb1 = _lin_init(ks[2], H, H)
    eW2, eb2 = _lin_init(ks[3], NB_Z * D, H)
    dW0, db0 = _lin_init(ks[4], H, NB_Z * D)
    dW1, db1 = _lin_init(ks[5], H, H)
    dW2, db2 = _lin_init(ks[6], NB_LINKS, H)
    codebook = jax.random.uniform(ks[7], (K, D), minval=-1.0 / K, maxval=1.0 / K, dtype=jnp.float32)
    return {
        "x": x, "codebook": codebook,
        "eW0": eW0, "eb0": eb0, "eW1": eW1, "eb1": eb1, "eW2": eW2, "eb2": eb2,
        "dW0": dW0, "db0": db0, "dW1": dW1, "db1": db1, "dW2": dW2, "db2": db2,
    }


def reference(x, codebook, eW0, eb0, eW1, eb1, eW2, eb2, dW0, db0, dW1, db1, dW2, db2):
    # encoder
    h = jax.nn.relu(x @ eW0.T + eb0)
    h = jax.nn.relu(h @ eW1.T + eb1)
    raw_z_e = h @ eW2.T + eb2
    z_e = raw_z_e.reshape(-1, NB_Z, D)
    # vector quantization (cdist + argmin + embedding gather)
    flat = z_e.reshape(-1, D)
    d2 = (jnp.sum(flat * flat, axis=1, keepdims=True)
          + jnp.sum(codebook * codebook, axis=1)[None, :]
          - 2.0 * (flat @ codebook.T))
    dist = jnp.sqrt(jnp.maximum(d2, 0.0))
    indices = jnp.argmin(dist, axis=1)
    z_q = jnp.take(codebook, indices, axis=0).reshape(z_e.shape)
    z_q_st = z_e + jax.lax.stop_gradient(z_q - z_e)
    # decoder
    raw = z_q_st.reshape(-1, NB_Z * D)
    g = jax.nn.relu(raw @ dW0.T + db0)
    g = jax.nn.relu(g @ dW1.T + db1)
    x_hat = g @ dW2.T + db2
    return (z_e, z_q_st, z_q, x_hat, indices.reshape(-1, NB_Z))

if __name__ == "__main__":
    import jax
    _d = setup_inputs()
    print(jax.jit(kernel)(*tuple(_d.values())))

</pallas_src>

<mosaic_0001>
#map = affine_map<(d0, d1) -> (0, 0)>
#map1 = affine_map<(d0, d1) -> (0)>
module attributes {stable_mosaic.version = 14 : i64} {
  func.func @gather_kernel(%arg0: i32, %arg1: i32, %arg2: memref<1024x64xf32, #tpu.memory_space<hbm>>, %arg3: memref<16384xi32, #tpu.memory_space<hbm>>, %arg4: memref<16384x64xf32, #tpu.memory_space<hbm>>, %arg5: memref<512xi32, #tpu.memory_space<vmem>>, %arg6: memref<512x64xf32, #tpu.memory_space<vmem>>, %arg7: memref<!tpu.dma_semaphore, #tpu.memory_space<semaphore_mem>>) attributes {dimension_semantics = [#tpu.dimension_semantics<core_parallel>, #tpu.dimension_semantics<subcore_parallel>], iteration_bounds = array<i64: 2, 16>, scalar_prefetch = 0 : i64, scratch_operands = 3 : i64, tpu.core_type = #tpu.core_type<sc_vector_subcore>, window_params = [{transform_indices = #map}, {transform_indices = #map1}, {transform_indices = #map}]} {
    %mul3A = arith.constant 2 : i32
    %mul3A_0 = arith.muli %arg1, %mul3A : i32
    %add3A = arith.addi %mul3A_0, %arg0 : i32
    %mul3A_1 = arith.constant 512 : i32
    %mul3A_2 = arith.muli %add3A, %mul3A_1 : i32
    "tpu.region"() ({
      %run_scoped3A = tpu.sem_alloc : memref<!tpu.dma_semaphore, #tpu.memory_space<semaphore_mem>>
      %dma_start3A_7 = tpu.memref_slice %arg3[%mul3A_2] : memref<16384xi32, #tpu.memory_space<hbm>> -> memref<512xi32, #tpu.memory_space<hbm>>
      %dma_start3A_8 = tpu.memref_slice %arg3[%mul3A_2] : memref<16384xi32, #tpu.memory_space<hbm>> -> memref<512xi32, #tpu.memory_space<hbm>>
      tpu.enqueue_dma source(%dma_start3A_8 : memref<512xi32, #tpu.memory_space<hbm>>) target(%arg5 : memref<512xi32, #tpu.memory_space<vmem>>) target_semaphore(%run_scoped3A : memref<!tpu.dma_semaphore, #tpu.memory_space<semaphore_mem>>)
      %dma_wait3A_9 = tpu.memref_slice %arg3[%mul3A_2] : memref<16384xi32, #tpu.memory_space<hbm>> -> memref<512xi32, #tpu.memory_space<hbm>>
      %dma_wait3A_10 = tpu.memref_slice %arg3[%mul3A_2] : memref<16384xi32, #tpu.memory_space<hbm>> -> memref<512xi32, #tpu.memory_space<hbm>>
      tpu.wait_dma2 semaphore(%run_scoped3A : memref<!tpu.dma_semaphore, #tpu.memory_space<semaphore_mem>>) src(%dma_wait3A_10 : memref<512xi32, #tpu.memory_space<hbm>>) dst(%arg5 : memref<512xi32, #tpu.memory_space<vmem>>)
      tpu.yield
    }) : () -> ()
    %dma_start3A = arith.constant 0 : i32
    %dma_start3A_3 = arith.constant 0 : i32
    %dma_start3A_4 = tpu.memref_slice %arg2[%dma_start3A, %dma_start3A_3] : memref<1024x64xf32, #tpu.memory_space<hbm>> -> memref<1024x64xf32, #tpu.memory_space<hbm>>
    tpu.enqueue_indirect_dma source(%dma_start3A_4 : memref<1024x64xf32, #tpu.memory_space<hbm>>) target(%arg6 : memref<512x64xf32, #tpu.memory_space<vmem>>) offsets(%arg5 : memref<512xi32, #tpu.memory_space<vmem>>) semaphore(%arg7 : memref<!tpu.dma_semaphore, #tpu.memory_space<semaphore_mem>>)
    %dma_wait3A = arith.constant 0 : i32
    %dma_wait3A_5 = arith.constant 0 : i32
    %dma_wait3A_6 = tpu.memref_slice %arg2[%dma_wait3A, %dma_wait3A_5] : memref<1024x64xf32, #tpu.memory_space<hbm>> -> memref<1024x64xf32, #tpu.memory_space<hbm>>
    tpu.wait_indirect_dma semaphore(%arg7 : memref<!tpu.dma_semaphore, #tpu.memory_space<semaphore_mem>>) src(%dma_wait3A_6 : memref<1024x64xf32, #tpu.memory_space<hbm>>) dst(%arg6 : memref<512x64xf32, #tpu.memory_space<vmem>>)
    "tpu.region"() ({
      %run_scoped3A = tpu.sem_alloc : memref<!tpu.dma_semaphore, #tpu.memory_space<semaphore_mem>>
      %dma_start3A_7 = arith.constant 0 : i32
      %dma_start3A_8 = tpu.memref_slice %arg4[%mul3A_2, %dma_start3A_7] : memref<16384x64xf32, #tpu.memory_space<hbm>> -> memref<512x64xf32, #tpu.memory_space<hbm>>
      %dma_start3A_9 = arith.constant 0 : i32
      %dma_start3A_10 = tpu.memref_slice %arg4[%mul3A_2, %dma_start3A_9] : memref<16384x64xf32, #tpu.memory_space<hbm>> -> memref<512x64xf32, #tpu.memory_space<hbm>>
      tpu.enqueue_dma source(%arg6 : memref<512x64xf32, #tpu.memory_space<vmem>>) target(%dma_start3A_10 : memref<512x64xf32, #tpu.memory_space<hbm>>) target_semaphore(%run_scoped3A : memref<!tpu.dma_semaphore, #tpu.memory_space<semaphore_mem>>)
      %dma_wait3A_11 = arith.constant 0 : i32
      %dma_wait3A_12 = tpu.memref_slice %arg4[%mul3A_2, %dma_wait3A_11] : memref<16384x64xf32, #tpu.memory_space<hbm>> -> memref<512x64xf32, #tpu.memory_space<hbm>>
      %dma_wait3A_13 = arith.constant 0 : i32
      %dma_wait3A_14 = tpu.memref_slice %arg4[%mul3A_2, %dma_wait3A_13] : memref<16384x64xf32, #tpu.memory_space<hbm>> -> memref<512x64xf32, #tpu.memory_space<hbm>>
      tpu.wait_dma2 semaphore(%run_scoped3A : memref<!tpu.dma_semaphore, #tpu.memory_space<semaphore_mem>>) src(%arg6 : memref<512x64xf32, #tpu.memory_space<vmem>>) dst(%dma_wait3A_14 : memref<512x64xf32, #tpu.memory_space<hbm>>)
      tpu.yield
    }) : () -> ()
    return
  }
}

module attributes {stable_mosaic.version = 14 : i64} {
  func.func @_encvq_body(%arg0: i32, %arg1: memref<256x1024xf32, #tpu.memory_space<vmem>>, %arg2: memref<2048x1024xf32, #tpu.memory_space<vmem>>, %arg3: memref<2048xf32, #tpu.memory_space<vmem>>, %arg4: memref<2048x2048xf32, #tpu.memory_space<vmem>>, %arg5: memref<2048xf32, #tpu.memory_space<vmem>>, %arg6: memref<1024x2048xf32, #tpu.memory_space<vmem>>, %arg7: memref<1024xf32, #tpu.memory_space<vmem>>, %arg8: memref<1024x64xf32, #tpu.memory_space<vmem>>, %arg9: memref<64x1024xf32, #tpu.memory_space<vmem>>, %arg10: memref<256x1024xf32, #tpu.memory_space<vmem>>, %arg11: memref<256x16xi32, #tpu.memory_space<vmem>>) attributes {dimension_semantics = [#tpu.dimension_semantics<arbitrary>], iteration_bounds = array<i64: 4>, scalar_prefetch = 0 : i64, scratch_operands = 0 : i64, tpu.core_type = #tpu.core_type<tc>, window_params = [{transform_indices = @transform_0, window_bounds = array<i64: 256, 1024>}, {pipeline_mode = #tpu.pipeline_mode<synchronous>, transform_indices = @transform_1, window_bounds = array<i64: 2048, 1024>}, {pipeline_mode = #tpu.pipeline_mode<synchronous>, transform_indices = @transform_2, window_bounds = array<i64: 2048>}, {pipeline_mode = #tpu.pipeline_mode<synchronous>, transform_indices = @transform_3, window_bounds = array<i64: 2048, 2048>}, {pipeline_mode = #tpu.pipeline_mode<synchronous>, transform_indices = @transform_4, window_bounds = array<i64: 2048>}, {pipeline_mode = #tpu.pipeline_mode<synchronous>, transform_indices = @transform_5, window_bounds = array<i64: 1024, 2048>}, {pipeline_mode = #tpu.pipeline_mode<synchronous>, transform_indices = @transform_6, window_bounds = array<i64: 1024>}, {pipeline_mode = #tpu.pipeline_mode<synchronous>, transform_indices = @transform_7, window_bounds = array<i64: 1024, 64>}, {pipeline_mode = #tpu.pipeline_mode<synchronous>, transform_indices = @transform_8, window_bounds = array<i64: 64, 1024>}, {transform_indices = @transform_9, window_bounds = array<i64: 256, 1024>}, {transform_indices = @transform_10, window_bounds = array<i64: 256, 16>}]} {
    %get3A = arith.constant 0 : index
    %get3A_0 = arith.constant 0 : index
    %get3A_1 = vector.load %arg1[%get3A, %get3A_0] : memref<256x1024xf32, #tpu.memory_space<vmem>>, vector<256x1024xf32>
    %get3A_2 = arith.constant 0 : index
    %get3A_3 = arith.constant 0 : index
    %get3A_4 = vector.load %arg2[%get3A_2, %get3A_3] : memref<2048x1024xf32, #tpu.memory_space<vmem>>, vector<2048x1024xf32>
    %dot_general3A = arith.constant dense<0.000000e+00> : vector<256x2048xf32>
    %dot_general3A_5 = tpu.matmul %get3A_1, %get3A_4, %dot_general3A {dimension_numbers = #tpu.dot_dimension_numbers<[1], [1], [0], [0], [0, 0, 1, 0], [], []>, transpose_lhs_hint = false} : vector<256x1024xf32>, vector<2048x1024xf32>, vector<256x2048xf32> -> vector<256x2048xf32>
    %get3A_6 = arith.constant 0 : index
    %get3A_7 = vector.load %arg3[%get3A_6] : memref<2048xf32, #tpu.memory_space<vmem>>, vector<2048xf32>
    %broadcast_in_dim3A = vector.shape_cast %get3A_7 : vector<2048xf32> to vector<1x2048xf32>
    %add3A = vector.broadcast %broadcast_in_dim3A : vector<1x2048xf32> to vector<256x2048xf32>
    %add3A_8 = arith.addf %dot_general3A_5, %add3A : vector<256x2048xf32>
    %max3A = arith.constant 0.000000e+00 : f32
    %max3A_9 = vector.broadcast %max3A : f32 to vector<256x2048xf32>
    %max3A_10 = arith.maximumf %add3A_8, %max3A_9 : vector<256x2048xf32>
    %get3A_11 = arith.constant 0 : index
    %get3A_12 = arith.constant 0 : index
    %get3A_13 = vector.load %arg4[%get3A_11, %get3A_12] : memref<2048x2048xf32, #tpu.memory_space<vmem>>, vector<2048x2048xf32>
    %dot_general3A_14 = arith.constant dense<0.000000e+00> : vector<256x2048xf32>
    %dot_general3A_15 = tpu.matmul %max3A_10, %get3A_13, %dot_general3A_14 {dimension_numbers = #tpu.dot_dimension_numbers<[1], [1], [0], [0], [0, 0, 1, 0], [], []>, transpose_lhs_hint = false} : vector<256x2048xf32>, vector<2048x2048xf32>, vector<256x2048xf32> -> vector<256x2048xf32>
    %get3A_16 = arith.constant 0 : index
    %get3A_17 = vector.load %arg5[%get3A_16] : memref<2048xf32, #tpu.memory_space<vmem>>, vector<2048xf32>
    %broadcast_in_dim3A_18 = vector.shape_cast %get3A_17 : vector<2048xf32> to vector<1x2048xf32>
    %add3A_19 = vector.broadcast %broadcast_in_dim3A_18 : vector<1x2048xf32> to vector<256x2048xf32>
    %add3A_20 = arith.addf %dot_general3A_15, %add3A_19 : vector<256x2048xf32>
    %max3A_21 = arith.constant 0.000000e+00 : f32
    %max3A_22 = vector.broadcast %max3A_21 : f32 to vector<256x2048xf32>
    %max3A_23 = arith.maximumf %add3A_20, %max3A_22 : vector<256x2048xf32>
    %get3A_24 = arith.constant 0 : index
    %get3A_25 = arith.constant 0 : index
    %get3A_26 = vector.load %arg6[%get3A_24, %get3A_25] : memref<1024x2048xf32, #tpu.memory_space<vmem>>, vector<1024x2048xf32>
    %dot_general3A_27 = arith.constant dense<0.000000e+00> : vector<256x1024xf32>
    %dot_general3A_28 = tpu.matmul %max3A_23, %get3A_26, %dot_general3A_27 {dimension_numbers = #tpu.dot_dimension_numbers<[1], [1], [0], [0], [0, 0, 1, 0], [], []>, transpose_lhs_hint = false} : vector<256x2048xf32>, vector<1024x2048xf32>, vector<256x1024xf32> -> vector<256x1024xf32>
    %get3A_29 = arith.constant 0 : index
    %get3A_30 = vector.load %arg7[%get3A_29] : memref<1024xf32, #tpu.memory_space<vmem>>, vector<1024xf32>
    %broadcast_in_dim3A_31 = vector.shape_cast %get3A_30 : vector<1024xf32> to vector<1x1024xf32>
    %add3A_32 = vector.broadcast %broadcast_in_dim3A_31 : vector<1x1024xf32> to vector<256x1024xf32>
    %add3A_33 = arith.addf %dot_general3A_28, %add3A_32 : vector<256x1024xf32>
    %swap3A = arith.constant 0 : index
    %swap3A_34 = arith.constant 0 : index
    %swap3A_35 = vector.load %arg10[%swap3A, %swap3A_34] : memref<256x1024xf32, #tpu.memory_space<vmem>>, vector<256x1024xf32>
    tpu.vector_store %arg10[%swap3A, %swap3A_34], %add3A_33 {strides = array<i32>} : memref<256x1024xf32, #tpu.memory_space<vmem>>, vector<256x1024xf32>,
    %get3A_36 = arith.constant 0 : index
    %get3A_37 = arith.constant 0 : index
    %get3A_38 = vector.load %arg8[%get3A_36, %get3A_37] : memref<1024x64xf32, #tpu.memory_space<vmem>>, vector<1024x64xf32>
    %get3A_39 = arith.constant 0 : index
    %get3A_40 = arith.constant 0 : index
    %get3A_41 = vector.load %arg9[%get3A_39, %get3A_40] : memref<64x1024xf32, #tpu.memory_space<vmem>>, vector<64x1024xf32>
    %mul3A = arith.mulf %get3A_41, %get3A_41 : vector<64x1024xf32>
    %slice3A = vector.extract_strided_slice %mul3A {offsets = [0, 0], sizes = [8, 1024], strides = [1, 1]} : vector<64x1024xf32> to vector<8x1024xf32>
    %slice3A_42 = vector.extract_strided_slice %mul3A {offsets = [8, 0], sizes = [8, 1024], strides = [1, 1]} : vector<64x1024xf32> to vector<8x1024xf32>
    %add3A_43 = arith.addf %slice3A, %slice3A_42 : vector<8x1024xf32>
    %slice3A_44 = vector.extract_strided_slice %mul3A {offsets = [16, 0], sizes = [8, 1024], strides = [1, 1]} : vector<64x1024xf32> to vector<8x1024xf32>
    %add3A_45 = arith.addf %add3A_43, %slice3A_44 : vector<8x1024xf32>
    %slice3A_46 = vector.extract_strided_slice %mul3A {offsets = [24, 0], sizes = [8, 1024], strides = [1, 1]} : vector<64x1024xf32> to vector<8x1024xf32>
    %add3A_47 = arith.addf %add3A_45, %slice3A_46 : vector<8x1024xf32>
    %slice3A_48 = vector.extract_strided_slice %mul3A {offsets = [32, 0], sizes = [8, 1024], strides = [1, 1]} : vector<64x1024xf32> to vector<8x1024xf32>
    %add3A_49 = arith.addf %add3A_47, %slice3A_48 : vector<8x1024xf32>
    %slice3A_50 = vector.extract_strided_slice %mul3A {offsets = [40, 0], sizes = [8, 1024], strides = [1, 1]} : vector<64x1024xf32> to vector<8x1024xf32>
    %add3A_51 = arith.addf %add3A_49, %slice3A_50 : vector<8x1024xf32>
    %slice3A_52 = vector.extract_strided_slice %mul3A {offsets = [48, 0], sizes = [8, 1024], strides = [1, 1]} : vector<64x1024xf32> to vector<8x1024xf32>
    %add3A_53 = arith.addf %add3A_51, %slice3A_52 : vector<8x1024xf32>
    %slice3A_54 = vector.extract_strided_slice %mul3A {offsets = [56, 0], sizes = [8, 1024], strides = [1, 1]} : vector<64x1024xf32> to vector<8x1024xf32>
    %add3A_55 = arith.addf %add3A_53, %slice3A_54 : vector<8x1024xf32>
    %slice3A_56 = vector.extract_strided_slice %add3A_55 {offsets = [0, 0], sizes = [4, 1024], strides = [1, 1]} : vector<8x1024xf32> to vector<4x1024xf32>
    %slice3A_57 = vector.extract_strided_slice %add3A_55 {offsets = [4, 0], sizes = [4, 1024], strides = [1, 1]} : vector<8x1024xf32> to vector<4x1024xf32>
    %add3A_58 = arith.addf %slice3A_56, %slice3A_57 : vector<4x1024xf32>
    %slice3A_59 = vector.extract_strided_slice %add3A_58 {offsets = [0, 0], sizes = [2, 1024], strides = [1, 1]} : vector<4x1024xf32> to vector<2x1024xf32>
    %slice3A_60 = vector.extract_strided_slice %add3A_58 {offsets = [2, 0], sizes = [2, 1024], strides = [1, 1]} : vector<4x1024xf32> to vector<2x1024xf32>
    %add3A_61 = arith.addf %slice3A_59, %slice3A_60 : vector<2x1024xf32>
    %slice3A_62 = vector.extract_strided_slice %add3A_61 {offsets = [0, 0], sizes = [1, 1024], strides = [1, 1]} : vector<2x1024xf32> to vector<1x1024xf32>
    %slice3A_63 = vector.extract_strided_slice %add3A_61 {offsets = [1, 0], sizes = [1, 1024], strides = [1, 1]} : vector<2x1024xf32> to vector<1x1024xf32>
    %add3A_64 = arith.addf %slice3A_62, %slice3A_63 : vector<1x1024xf32>
    %slice3A_65 = vector.extract_strided_slice %add3A_33 {offsets = [0, 0], sizes = [256, 64], strides = [1, 1]} : vector<256x1024xf32> to vector<256x64xf32>
    %dot_general3A_66 = arith.constant dense<0.000000e+00> : vector<256x1024xf32>
    %dot_general3A_67 = tpu.matmul %slice3A_65, %get3A_38, %dot_general3A_66 {dimension_numbers = #tpu.dot_dimension_numbers<[1], [1], [0], [0], [0, 0, 1, 0], [], []>, transpose_lhs_hint = false} : vector<256x64xf32>, vector<1024x64xf32>, vector<256x1024xf32> -> vector<256x1024xf32>
    %mul3A_68 = arith.mulf %slice3A_65, %slice3A_65 : vector<256x64xf32>
    %slice3A_69 = vector.extract_strided_slice %mul3A_68 {offsets = [0, 0], sizes = [256, 8], strides = [1, 1]} : vector<256x64xf32> to vector<256x8xf32>
    %slice3A_70 = vector.extract_strided_slice %mul3A_68 {offsets = [0, 8], sizes = [256, 8], strides = [1, 1]} : vector<256x64xf32> to vector<256x8xf32>
    %add3A_71 = arith.addf %slice3A_69, %slice3A_70 : vector<256x8xf32>
    %slice3A_72 = vector.extract_strided_slice %mul3A_68 {offsets = [0, 16], sizes = [256, 8], strides = [1, 1]} : vector<256x64xf32> to vector<256x8xf32>
    %add3A_73 = arith.addf %add3A_71, %slice3A_72 : vector<256x8xf32>
    %slice3A_74 = vector.extract_strided_slice %mul3A_68 {offsets = [0, 24], sizes = [256, 8], strides = [1, 1]} : vector<256x64xf32> to vector<256x8xf32>
    %add3A_75 = arith.addf %add3A_73, %slice3A_74 : vector<256x8xf32>
    %slice3A_76 = vector.extract_strided_slice %mul3A_68 {offsets = [0, 32], sizes = [256, 8], strides = [1, 1]} : vector<256x64xf32> to vector<256x8xf32>
    %add3A_77 = arith.addf %add3A_75, %slice3A_76 : vector<256x8xf32>
    %slice3A_78 = vector.extract_strided_slice %mul3A_68 {offsets = [0, 40], sizes = [256, 8], strides = [1, 1]} : vector<256x64xf32> to vector<256x8xf32>
    %add3A_79 = arith.addf %add3A_77, %slice3A_78 : vector<256x8xf32>
    %slice3A_80 = vector.extract_strided_slice %mul3A_68 {offsets = [0, 48], sizes = [256, 8], strides = [1, 1]} : vector<256x64xf32> to vector<256x8xf32>
    %add3A_81 = arith.addf %add3A_79, %slice3A_80 : vector<256x8xf32>
    %slice3A_82 = vector.extract_strided_slice %mul3A_68 {offsets = [0, 56], sizes = [256, 8], strides = [1, 1]} : vector<256x64xf32> to vector<256x8xf32>
    %add3A_83 = arith.addf %add3A_81, %slice3A_82 : vector<256x8xf32>
    %slice3A_84 = vector.extract_strided_slice %add3A_83 {offsets = [0, 0], sizes = [256, 4], strides = [1, 1]} : vector<256x8xf32> to vector<256x4xf32>
    %slice3A_85 = vector.extract_strided_slice %add3A_83 {offsets = [0, 4], sizes = [256, 4], strides = [1, 1]} : vector<256x8xf32> to vector<256x4xf32>
    %add3A_86 = arith.addf %slice3A_84, %slice3A_85 : vector<256x4xf32>
    %slice3A_87 = vector.extract_strided_slice %add3A_86 {offsets = [0, 0], sizes = [256, 2], strides = [1, 1]} : vector<256x4xf32> to vector<256x2xf32>
    %slice3A_88 = vector.extract_strided_slice %add3A_86 {offsets = [0, 2], sizes = [256, 2], strides = [1, 1]} : vector<256x4xf32> to vector<256x2xf32>
    %add3A_89 = arith.addf %slice3A_87, %slice3A_88 : vector<256x2xf32>
    %slice3A_90 = vector.extract_strided_slice %add3A_89 {offsets = [0, 0], sizes = [256, 1], strides = [1, 1]} : vector<256x2xf32> to vector<256x1xf32>
    %slice3A_91 = vector.extract_strided_slice %add3A_89 {offsets = [0, 1], sizes = [256, 1], strides = [1, 1]} : vector<256x2xf32> to vector<256x1xf32>
    %add3A_92 = arith.addf %slice3A_90, %slice3A_91 : vector<256x1xf32>
    %add3A_93 = vector.broadcast %add3A_92 : vector<256x1xf32> to vector<256x1024xf32>
    %add3A_94 = vector.broadcast %add3A_64 : vector<1x1024xf32> to vector<256x1024xf32>
    %add3A_95 = arith.addf %add3A_93, %add3A_94 : vector<256x1024xf32>
    %mul3A_96 = arith.constant 2.000000e+00 : f32
    %mul3A_97 = vector.broadcast %mul3A_96 : f32 to vector<256x1024xf32>
    %mul3A_98 = arith.mulf %mul3A_97, %dot_general3A_67 : vector<256x1024xf32>
    %sub3A = arith.subf %add3A_95, %mul3A_98 : vector<256x1024xf32>
    %max3A_99 = arith.constant 0.000000e+00 : f32
    %max3A_100 = vector.broadcast %max3A_99 : f32 to vector<256x1024xf32>
    %max3A_101 = arith.maximumf %sub3A, %max3A_100 : vector<256x1024xf32>
    %sqrt3A = math.sqrt %max3A_101 : vector<256x1024xf32>
    %reduce_min3A = arith.constant dense<0x7F800000> : vector<256xf32>
    %reduce_min3A_102 = vector.multi_reduction <minimumf>, %sqrt3A, %reduce_min3A [1] : vector<256x1024xf32> to vector<256xf32>
    %broadcast_in_dim3A_103 = vector.shape_cast %reduce_min3A_102 : vector<256xf32> to vector<256x1xf32>
    %iota3A = tpu.iota {dimensions = array<i32: 1>} : vector<256x1024xi32>
    %eq3A = vector.broadcast %broadcast_in_dim3A_103 : vector<256x1xf32> to vector<256x1024xf32>
    %eq3A_104 = arith.cmpf oeq, %sqrt3A, %eq3A : vector<256x1024xf32>
    %jit3A = arith.constant 1024 : i32
    %broadcast_in_dim3A_105 = vector.broadcast %jit3A : i32 to vector<256x1024xi32>
    %select_n3A = arith.select %eq3A_104, %iota3A, %broadcast_in_dim3A_105 : vector<256x1024xi1>, vector<256x1024xi32>
    %reduce_min3A_106 = arith.constant dense<2147483647> : vector<256xi32>
    %reduce_min3A_107 = vector.multi_reduction <minsi>, %select_n3A, %reduce_min3A_106 [1] : vector<256x1024xi32> to vector<256xi32>
    %broadcast_in_dim3A_108 = vector.shape_cast %reduce_min3A_107 : vector<256xi32> to vector<256x1xi32>
    %slice3A_109 = vector.extract_strided_slice %add3A_33 {offsets = [0, 64], sizes = [256, 64], strides = [1, 1]} : vector<256x1024xf32> to vector<256x64xf32>
    %dot_general3A_110 = arith.constant dense<0.000000e+00> : vector<256x1024xf32>
    %dot_general3A_111 = tpu.matmul %slice3A_109, %get3A_38, %dot_general3A_110 {dimension_numbers = #tpu.dot_dimension_numbers<[1], [1], [0], [0], [0, 0, 1, 0], [], []>, transpose_lhs_hint = false} : vector<256x64xf32>, vector<1024x64xf32>, vector<256x1024xf32> -> vector<256x1024xf32>
    %mul3A_112 = arith.mulf %slice3A_109, %slice3A_109 : vector<256x64xf32>
    %slice3A_113 = vector.extract_strided_slice %mul3A_112 {offsets = [0, 0], sizes = [256, 8], strides = [1, 1]} : vector<256x64xf32> to vector<256x8xf32>
    %slice3A_114 = vector.extract_strided_slice %mul3A_112 {offsets = [0, 8], sizes = [256, 8], strides = [1, 1]} : vector<256x64xf32> to vector<256x8xf32>
    %add3A_115 = arith.addf %slice3A_113, %slice3A_114 : vector<256x8xf32>
    %slice3A_116 = vector.extract_strided_slice %mul3A_112 {offsets = [0, 16], sizes = [256, 8], strides = [1, 1]} : vector<256x64xf32> to vector<256x8xf32>
    %add3A_117 = arith.addf %add3A_115, %slice3A_116 : vector<256x8xf32>
    %slice3A_118 = vector.extract_strided_slice %mul3A_112 {offsets = [0, 24], sizes = [256, 8], strides = [1, 1]} : vector<256x64xf32> to vector<256x8xf32>
    %add3A_119 = arith.addf %add3A_117, %slice3A_118 : vector<256x8xf32>
    %slice3A_120 = vector.extract_strided_slice %mul3A_112 {offsets = [0, 32], sizes = [256, 8], strides = [1, 1]} : vector<256x64xf32> to vector<256x8xf32>
    %add3A_121 = arith.addf %add3A_119, %slice3A_120 : vector<256x8xf32>
    %slice3A_122 = vector.extract_strided_slice %mul3A_112 {offsets = [0, 40], sizes = [256, 8], strides = [1, 1]} : vector<256x64xf32> to vector<256x8xf32>
    %add3A_123 = arith.addf %add3A_121, %slice3A_122 : vector<256x8xf32>
    %slice3A_124 = vector.extract_strided_slice %mul3A_112 {offsets = [0, 48], sizes = [256, 8], strides = [1, 1]} : vector<256x64xf32> to vector<256x8xf32>
    %add3A_125 = arith.addf %add3A_123, %slice3A_124 : vector<256x8xf32>
    %slice3A_126 = vector.extract_strided_slice %mul3A_112 {offsets = [0, 56], sizes = [256, 8], strides = [1, 1]} : vector<256x64xf32> to vector<256x8xf32>
    %add3A_127 = arith.addf %add3A_125, %slice3A_126 : vector<256x8xf32>
    %slice3A_128 = vector.extract_strided_slice %add3A_127 {offsets = [0, 0], sizes = [256, 4], strides = [1, 1]} : vector<256x8xf32> to vector<256x4xf32>
    %slice3A_129 = vector.extract_strided_slice %add3A_127 {offsets = [0, 4], sizes = [256, 4], strides = [1, 1]} : vector<256x8xf32> to vector<256x4xf32>
    %add3A_130 = arith.addf %slice3A_128, %slice3A_129 : vector<256x4xf32>
    %slice3A_131 = vector.extract_strided_slice %add3A_130 {offsets = [0, 0], sizes = [256, 2], strides = [1, 1]} : vector<256x4xf32> to vector<256x2xf32>
    %slice3A_132 = vector.extract_strided_slice %add3A_130 {offsets = [0, 2], sizes = [256, 2], strides = [1, 1]} : vector<256x4xf32> to vector<256x2xf32>
    %add3A_133 = arith.addf %slice3A_131, %slice3A_132 : vector<256x2xf32>
    %slice3A_134 = vector.extract_strided_slice %add3A_133 {offsets = [0, 0], sizes = [256, 1], strides = [1, 1]} : vector<256x2xf32> to vector<256x1xf32>
    %slice3A_135 = vector.extract_strided_slice %add3A_133 {offsets = [0, 1], sizes = [256, 1], strides = [1, 1]} : vector<256x2xf32> to vector<256x1xf32>
    %add3A_136 = arith.addf %slice3A_134, %slice3A_135 : vector<256x1xf32>
    %add3A_137 = vector.broadcast %add3A_136 : vector<256x1xf32> to vector<256x1024xf32>
    %add3A_138 = vector.broadcast %add3A_64 : vector<1x1024xf32> to vector<256x1024xf32>
    %add3A_139 = arith.addf %add3A_137, %add3A_138 : vector<256x1024xf32>
    %mul3A_140 = arith.constant 2.000000e+00 : f32
    %mul3A_141 = vector.broadcast %mul3A_140 : f32 to vector<256x1024xf32>
    %mul3A_142 = arith.mulf %mul3A_141, %dot_general3A_111 : vector<256x1024xf32>
    %sub3A_143 = arith.subf %add3A_139, %mul3A_142 : vector<256x1024xf32>
    %max3A_144 = arith.constant 0.000000e+00 : f32
    %max3A_145 = vector.broadcast %max3A_144 : f32 to vector<256x1024xf32>
    %max3A_146 = arith.maximumf %sub3A_143, %max3A_145 : vector<256x1024xf32>
    %sqrt3A_147 = math.sqrt %max3A_146 : vector<256x1024xf32>
    %reduce_min3A_148 = arith.constant dense<0x7F800000> : vector<256xf32>
    %reduce_min3A_149 = vector.multi_reduction <minimumf>, %sqrt3A_147, %reduce_min3A_148 [1] : vector<256x1024xf32> to vector<256xf32>
    %broadcast_in_dim3A_150 = vector.shape_cast %reduce_min3A_149 : vector<256xf32> to vector<256x1xf32>
    %iota3A_151 = tpu.iota {dimensions = array<i32: 1>} : vector<256x1024xi32>
    %eq3A_152 = vector.broadcast %broadcast_in_dim3A_150 : vector<256x1xf32> to vector<256x1024xf32>
    %eq3A_153 = arith.cmpf oeq, %sqrt3A_147, %eq3A_152 : vector<256x1024xf32>
    %jit3A_154 = arith.constant 1024 : i32
    %broadcast_in_dim3A_155 = vector.broadcast %jit3A_154 : i32 to vector<256x1024xi32>
    %select_n3A_156 = arith.select %eq3A_153, %iota3A_151, %broadcast_in_dim3A_155 : vector<256x1024xi1>, vector<256x1024xi32>
    %reduce_min3A_157 = arith.constant dense<2147483647> : vector<256xi32>
    %reduce_min3A_158 = vector.multi_reduction <minsi>, %select_n3A_156, %reduce_min3A_157 [1] : vector<256x1024xi32> to vector<256xi32>
    %broadcast_in_dim3A_159 = vector.shape_cast %reduce_min3A_158 : vector<256xi32> to vector<256x1xi32>
    %slice3A_160 = vector.extract_strided_slice %add3A_33 {offsets = [0, 128], sizes = [256, 64], strides = [1, 1]} : vector<256x1024xf32> to vector<256x64xf32>
    %dot_general3A_161 = arith.constant dense<0.000000e+00> : vector<256x1024xf32>
    %dot_general3A_162 = tpu.matmul %slice3A_160, %get3A_38, %dot_general3A_161 {dimension_numbers = #tpu.dot_dimension_numbers<[1], [1], [0], [0], [0, 0, 1, 0], [], []>, transpose_lhs_hint = false} : vector<256x64xf32>, vector<1024x64xf32>, vector<256x1024xf32> -> vector<256x1024xf32>
    %mul3A_163 = arith.mulf %slice3A_160, %slice3A_160 : vector<256x64xf32>
    %slice3A_164 = vector.extract_strided_slice %mul3A_163 {offsets = [0, 0], sizes = [256, 8], strides = [1, 1]} : vector<256x64xf32> to vector<256x8xf32>
    %slice3A_165 = vector.extract_strided_slice %mul3A_163 {offsets = [0, 8], sizes = [256, 8], strides = [1, 1]} : vector<256x64xf32> to vector<256x8xf32>
    %add3A_166 = arith.addf %slice3A_164, %slice3A_165 : vector<256x8xf32>
    %slice3A_167 = vector.extract_strided_slice %mul3A_163 {offsets = [0, 16], sizes = [256, 8], strides = [1, 1]} : vector<256x64xf32> to vector<256x8xf32>
    %add3A_168 = arith.addf %add3A_166, %slice3A_167 : vector<256x8xf32>
    %slice3A_169 = vector.extract_strided_slice %mul3A_163 {offsets = [0, 24], sizes = [256, 8], strides = [1, 1]} : vector<256x64xf32> to vector<256x8xf32>
    %add3A_170 = arith.addf %add3A_168, %slice3A_169 : vector<256x8xf32>
    %slice3A_171 = vector.extract_strided_slice %mul3A_163 {offsets = [0, 32], sizes = [256, 8], strides = [1, 1]} : vector<256x64xf32> to vector<256x8xf32>
    %add3A_172 = arith.addf %add3A_170, %slice3A_171 : vector<256x8xf32>
    %slice3A_173 = vector.extract_strided_slice %mul3A_163 {offsets = [0, 40], sizes = [256, 8], strides = [1, 1]} : vector<256x64xf32> to vector<256x8xf32>
    %add3A_174 = arith.addf %add3A_172, %slice3A_173 : vector<256x8xf32>
    %slice3A_175 = vector.extract_strided_slice %mul3A_163 {offsets = [0, 48], sizes = [256, 8], strides = [1, 1]} : vector<256x64xf32> to vector<256x8xf32>
    %add3A_176 = arith.addf %add3A_174, %slice3A_175 : vector<256x8xf32>
    %slice3A_177 = vector.extract_strided_slice %mul3A_163 {offsets = [0, 56], sizes = [256, 8], strides = [1, 1]} : vector<256x64xf32> to vector<256x8xf32>
    %add3A_178 = arith.addf %add3A_176, %slice3A_177 : vector<256x8xf32>
    %slice3A_179 = vector.extract_strided_slice %add3A_178 {offsets = [0, 0], sizes = [256, 4], strides = [1, 1]} : vector<256x8xf32> to vector<256x4xf32>
    %slice3A_180 = vector.extract_strided_slice %add3A_178 {offsets = [0, 4], sizes = [256, 4], strides = [1, 1]} : vector<256x8xf32> to vector<256x4xf32>
    %add3A_181 = arith.addf %slice3A_179, %slice3A_180 : vector<256x4xf32>
    %slice3A_182 = vector.extract_strided_slice %add3A_181 {offsets = [0, 0], sizes = [256, 2], strides = [1, 1]} : vector<256x4xf32> to vector<256x2xf32>
    %slice3A_183 = vector.extract_strided_slice %add3A_181 {offsets = [0, 2], sizes = [256, 2], strides = [1, 1]} : vector<256x4xf32> to vector<256x2xf32>
    %add3A_184 = arith.addf %slice3A_182, %slice3A_183 : vector<256x2xf32>
    %slice3A_185 = vector.extract_strided_slice %add3A_184 {offsets = [0, 0], sizes = [256, 1], strides = [1, 1]} : vector<256x2xf32> to vector<256x1xf32>
    %slice3A_186 = vector.extract_strided_slice %add3A_184 {offsets = [0, 1], sizes = [256, 1], strides = [1, 1]} : vector<256x2xf32> to vector<256x1xf32>
    %add3A_187 = arith.addf %slice3A_185, %slice3A_186 : vector<256x1xf32>
    %add3A_188 = vector.broadcast %add3A_187 : vector<256x1xf32> to vector<256x1024xf32>
    %add3A_189 = vector.broadcast %add3A_64 : vector<1x1024xf32> to vector<256x1024xf32>
    %add3A_190 = arith.addf %add3A_188, %add3A_189 : vector<256x1024xf32>
    %mul3A_191 = arith.constant 2.000000e+00 : f32
    %mul3A_192 = vector.broadcast %mul3A_191 : f32 to vector<256x1024xf32>
    %mul3A_193 = arith.mulf %mul3A_192, %dot_general3A_162 : vector<256x1024xf32>
    %sub3A_194 = arith.subf %add3A_190, %mul3A_193 : vector<256x1024xf32>
    %max3A_195 = arith.constant 0.000000e+00 : f32
    %max3A_196 = vector.broadcast %max3A_195 : f32 to vector<256x1024xf32>
    %max3A_197 = arith.maximumf %sub3A_194, %max3A_196 : vector<256x1024xf32>
    %sqrt3A_198 = math.sqrt %max3A_197 : vector<256x1024xf32>
    %reduce_min3A_199 = arith.constant dense<0x7F800000> : vector<256xf32>
    %reduce_min3A_200 = vector.multi_reduction <minimumf>, %sqrt3A_198, %reduce_min3A_199 [1] : vector<256x1024xf32> to vector<256xf32>
    %broadcast_in_dim3A_201 = vector.shape_cast %reduce_min3A_200 : vector<256xf32> to vector<256x1xf32>
    %iota3A_202 = tpu.iota {dimensions = array<i32: 1>} : vector<256x1024xi32>
    %eq3A_203 = vector.broadcast %broadcast_in_dim3A_201 : vector<256x1xf32> to vector<256x1024xf32>
    %eq3A_204 = arith.cmpf oeq, %sqrt3A_198, %eq3A_203 : vector<256x1024xf32>
    %jit3A_205 = arith.constant 1024 : i32
    %broadcast_in_dim3A_206 = vector.broadcast %jit3A_205 : i32 to vector<256x1024xi32>
    %select_n3A_207 = arith.select %eq3A_204, %iota3A_202, %broadcast_in_dim3A_206 : vector<256x1024xi1>, vector<256x1024xi32>
    %reduce_min3A_208 = arith.constant dense<2147483647> : vector<256xi32>
    %reduce_min3A_209 = vector.multi_reduction <minsi>, %select_n3A_207, %reduce_min3A_208 [1] : vector<256x1024xi32> to vector<256xi32>
    %broadcast_in_dim3A_210 = vector.shape_cast %reduce_min3A_209 : vector<256xi32> to vector<256x1xi32>
    %slice3A_211 = vector.extract_strided_slice %add3A_33 {offsets = [0, 192], sizes = [256, 64], strides = [1, 1]} : vector<256x1024xf32> to vector<256x64xf32>
    %dot_general3A_212 = arith.constant dense<0.000000e+00> : vector<256x1024xf32>
    %dot_general3A_213 = tpu.matmul %slice3A_211, %get3A_38, %dot_general3A_212 {dimension_numbers = #tpu.dot_dimension_numbers<[1], [1], [0], [0], [0, 0, 1, 0], [], []>, transpose_lhs_hint = false} : vector<256x64xf32>, vector<1024x64xf32>, vector<256x1024xf32> -> vector<256x1024xf32>
    %mul3A_214 = arith.mulf %slice3A_211, %slice3A_211 : vector<256x64xf32>
    %slice3A_215 = vector.extract_strided_slice %mul3A_214 {offsets = [0, 0], sizes = [256, 8], strides = [1, 1]} : vector<256x64xf32> to vector<256x8xf32>
    %slice3A_216 = vector.extract_strided_slice %mul3A_214 {offsets = [0, 8], sizes = [256, 8], strides = [1, 1]} : vector<256x64xf32> to vector<256x8xf32>
    %add3A_217 = arith.addf %slice3A_215, %slice3A_216 : vector<256x8xf32>
    %slice3A_218 = vector.extract_strided_slice %mul3A_214 {offsets = [0, 16], sizes = [256, 8], strides = [1, 1]} : vector<256x64xf32> to vector<256x8xf32>
    %add3A_219 = arith.addf %add3A_217, %slice3A_218 : vector<256x8xf32>
    %slice3A_220 = vector.extract_strided_slice %mul3A_214 {offsets = [0, 24], sizes = [256, 8], strides = [1, 1]} : vector<256x64xf32> to vector<256x8xf32>
    %add3A_221 = arith.addf %add3A_219, %slice3A_220 : vector<256x8xf32>
    %slice3A_222 = vector.extract_strided_slice %mul3A_214 {offsets = [0, 32], sizes = [256, 8], strides = [1, 1]} : vector<256x64xf32> to vector<256x8xf32>
    %add3A_223 = arith.addf %add3A_221, %slice3A_222 : vector<256x8xf32>
    %slice3A_224 = vector.extract_strided_slice %mul3A_214 {offsets = [0, 40], sizes = [256, 8], strides = [1, 1]} : vector<256x64xf32> to vector<256x8xf32>
    %add3A_225 = arith.addf %add3A_223, %slice3A_224 : vector<256x8xf32>
    %slice3A_226 = vector.extract_strided_slice %mul3A_214 {offsets = [0, 48], sizes = [256, 8], strides = [1, 1]} : vector<256x64xf32> to vector<256x8xf32>
    %add3A_227 = arith.addf %add3A_225, %slice3A_226 : vector<256x8xf32>
    %slice3A_228 = vector.extract_strided_slice %mul3A_214 {offsets = [0, 56], sizes = [256, 8], strides = [1, 1]} : vector<256x64xf32> to vector<256x8xf32>
    %add3A_229 = arith.addf %add3A_227, %slice3A_228 : vector<256x8xf32>
    %slice3A_230 = vector.extract_strided_slice %add3A_229 {offsets = [0, 0], sizes = [256, 4], strides = [1, 1]} : vector<256x8xf32> to vector<256x4xf32>
    %slice3A_231 = vector.extract_strided_slice %add3A_229 {offsets = [0, 4], sizes = [256, 4], strides = [1, 1]} : vector<256x8xf32> to vector<256x4xf32>
    %add3A_232 = arith.addf %slice3A_230, %slice3A_231 : vector<256x4xf32>
    %slice3A_233 = vector.extract_strided_slice %add3A_232 {offsets = [0, 0], sizes = [256, 2], strides = [1, 1]} : vector<256x4xf32> to vector<256x2xf32>
    %slice3A_234 = vector.extract_strided_slice %add3A_232 {offsets = [0, 2], sizes = [256, 2], strides = [1, 1]} : vector<256x4xf32> to vector<256x2xf32>
    %add3A_235 = arith.addf %slice3A_233, %slice3A_234 : vector<256x2xf32>
    %slice3A_236 = vector.extract_strided_slice %add3A_235 {offsets = [0, 0], sizes = [256, 1], strides = [1, 1]} : vector<256x2xf32> to vector<256x1xf32>
    %slice3A_237 = vector.extract_strided_slice %add3A_235 {offsets = [0, 1], sizes = [256, 1], strides = [1, 1]} : vector<256x2xf32> to vector<256x1xf32>
    %add3A_238 = arith.addf %slice3A_236, %slice3A_237 : vector<256x1xf32>
    %add3A_239 = vector.broadcast %add3A_238 : vector<256x1xf32> to vector<256x1024xf32>
    %add3A_240 = vector.broadcast %add3A_64 : vector<1x1024xf32> to vector<256x1024xf32>
    %add3A_241 = arith.addf %add3A_239, %add3A_240 : vector<256x1024xf32>
    %mul3A_242 = arith.constant 2.000000e+00 : f32
    %mul3A_243 = vector.broadcast %mul3A_242 : f32 to vector<256x1024xf32>
    %mul3A_244 = arith.mulf %mul3A_243, %dot_general3A_213 : vector<256x1024xf32>
    %sub3A_245 = arith.subf %add3A_241, %mul3A_244 : vector<256x1024xf32>
    %max3A_246 = arith.constant 0.000000e+00 : f32
    %max3A_247 = vector.broadcast %max3A_246 : f32 to vector<256x1024xf32>
    %max3A_248 = arith.maximumf %sub3A_245, %max3A_247 : vector<256x1024xf32>
    %sqrt3A_249 = math.sqrt %max3A_248 : vector<256x1024xf32>
    %reduce_min3A_250 = arith.constant dense<0x7F800000> : vector<256xf32>
    %reduce_min3A_251 = vector.multi_reduction <minimumf>, %sqrt3A_249, %reduce_min3A_250 [1] : vector<256x1024xf32> to vector<256xf32>
    %broadcast_in_dim3A_252 = vector.shape_cast %reduce_min3A_251 : vector<256xf32> to vector<256x1xf32>
    %iota3A_253 = tpu.iota {dimensions = array<i32: 1>} : vector<256x1024xi32>
    %eq3A_254 = vector.broadcast %broadcast_in_dim3A_252 : vector<256x1xf32> to vector<256x1024xf32>
    %eq3A_255 = arith.cmpf oeq, %sqrt3A_249, %eq3A_254 : vector<256x1024xf32>
    %jit3A_256 = arith.constant 1024 : i32
    %broadcast_in_dim3A_257 = vector.broadcast %jit3A_256 : i32 to vector<256x1024xi32>
    %select_n3A_258 = arith.select %eq3A_255, %iota3A_253, %broadcast_in_dim3A_257 : vector<256x1024xi1>, vector<256x1024xi32>
    %reduce_min3A_259 = arith.constant dense<2147483647> : vector<256xi32>
    %reduce_min3A_260 = vector.multi_reduction <minsi>, %select_n3A_258, %reduce_min3A_259 [1] : vector<256x1024xi32> to vector<256xi32>
    %broadcast_in_dim3A_261 = vector.shape_cast %reduce_min3A_260 : vector<256xi32> to vector<256x1xi32>
    %slice3A_262 = vector.extract_strided_slice %add3A_33 {offsets = [0, 256], sizes = [256, 64], strides = [1, 1]} : vector<256x1024xf32> to vector<256x64xf32>
    %dot_general3A_263 = arith.constant dense<0.000000e+00> : vector<256x1024xf32>
    %dot_general3A_264 = tpu.matmul %slice3A_262, %get3A_38, %dot_general3A_263 {dimension_numbers = #tpu.dot_dimension_numbers<[1], [1], [0], [0], [0, 0, 1, 0], [], []>, transpose_lhs_hint = false} : vector<256x64xf32>, vector<1024x64xf32>, vector<256x1024xf32> -> vector<256x1024xf32>
    %mul3A_265 = arith.mulf %slice3A_262, %slice3A_262 : vector<256x64xf32>
    %slice3A_266 = vector.extract_strided_slice %mul3A_265 {offsets = [0, 0], sizes = [256, 8], strides = [1, 1]} : vector<256x64xf32> to vector<256x8xf32>
    %slice3A_267 = vector.extract_strided_slice %mul3A_265 {offsets = [0, 8], sizes = [256, 8], strides = [1, 1]} : vector<256x64xf32> to vector<256x8xf32>
    %add3A_268 = arith.addf %slice3A_266, %slice3A_267 : vector<256x8xf32>
    %slice3A_269 = vector.extract_strided_slice %mul3A_265 {offsets = [0, 16], sizes = [256, 8], strides = [1, 1]} : vector<256x64xf32> to vector<256x8xf32>
    %add3A_270 = arith.addf %add3A_268, %slice3A_269 : vector<256x8xf32>
    %slice3A_271 = vector.extract_strided_slice %mul3A_265 {offsets = [0, 24], sizes = [256, 8], strides = [1, 1]} : vector<256x64xf32> to vector<256x8xf32>
    %add3A_272 = arith.addf %add3A_270, %slice3A_271 : vector<256x8xf32>
    %slice3A_273 = vector.extract_strided_slice %mul3A_265 {offsets = [0, 32], sizes = [256, 8], strides = [1, 1]} : vector<256x64xf32> to vector<256x8xf32>
    %add3A_274 = arith.addf %add3A_272, %slice3A_273 : vector<256x8xf32>
    %slice3A_275 = vector.extract_strided_slice %mul3A_265 {offsets = [0, 40], sizes = [256, 8], strides = [1, 1]} : vector<256x64xf32> to vector<256x8xf32>
    %add3A_276 = arith.addf %add3A_274, %slice3A_275 : vector<256x8xf32>
    %slice3A_277 = vector.extract_strided_slice %mul3A_265 {offsets = [0, 48], sizes = [256, 8], strides = [1, 1]} : vector<256x64xf32> to vector<256x8xf32>
    %add3A_278 = arith.addf %add3A_276, %slice3A_277 : vector<256x8xf32>
    %slice3A_279 = vector.extract_strided_slice %mul3A_265 {offsets = [0, 56], sizes = [256, 8], strides = [1, 1]} : vector<256x64xf32> to vector<256x8xf32>
    %add3A_280 = arith.addf %add3A_278, %slice3A_279 : vector<256x8xf32>
    %slice3A_281 = vector.extract_strided_slice %add3A_280 {offsets = [0, 0], sizes = [256, 4], strides = [1, 1]} : vector<256x8xf32> to vector<256x4xf32>
    %slice3A_282 = vector.extract_strided_slice %add3A_280 {offsets = [0, 4], sizes = [256, 4], strides = [1, 1]} : vector<256x8xf32> to vector<256x4xf32>
    %add3A_283 = arith.addf %slice3A_281, %slice3A_282 : vector<256x4xf32>
    %slice3A_284 = vector.extract_strided_slice %add3A_283 {offsets = [0, 0], sizes = [256, 2], strides = [1, 1]} : vector<256x4xf32> to vector<256x2xf32>
    %slice3A_285 = vector.extract_strided_slice %add3A_283 {offsets = [0, 2], sizes = [256, 2], strides = [1, 1]} : vector<256x4xf32> to vector<256x2xf32>
    %add3A_286 = arith.addf %slice3A_284, %slice3A_285 : vector<256x2xf32>
    %slice3A_287 = vector.extract_strided_slice %add3A_286 {offsets = [0, 0], sizes = [256, 1], strides = [1, 1]} : vector<256x2xf32> to vector<256x1xf32>
    %slice3A_288 = vector.extract_strided_slice %add3A_286 {offsets = [0, 1], sizes = [256, 1], strides = [1, 1]} : vector<256x2xf32> to vector<256x1xf32>
    %add3A_289 = arith.addf %slice3A_287, %slice3A_288 : vector<256x1xf32>
    %add3A_290 = vector.broadcast %add3A_289 : vector<256x1xf32> to vector<256x1024xf32>
    %add3A_291 = vector.broadcast %add3A_64 : vector<1x1024xf32> to vector<256x1024xf32>
    %add3A_292 = arith.addf %add3A_290, %add3A_291 : vector<256x1024xf32>
    %mul3A_293 = arith.constant 2.000000e+00 : f32
    %mul3A_294 = vector.broadcast %mul3A_293 : f32 to vector<256x1024xf32>
    %mul3A_295 = arith.mulf %mul3A_294, %dot_general3A_264 : vector<256x1024xf32>
    %sub3A_296 = arith.subf %add3A_292, %mul3A_295 : vector<256x1024xf32>
    %max3A_297 = arith.constant 0.000000e+00 : f32
    %max3A_298 = vector.broadcast %max3A_297 : f32 to vector<256x1024xf32>
    %max3A_299 = arith.maximumf %sub3A_296, %max3A_298 : vector<256x1024xf32>
    %sqrt3A_300 = math.sqrt %max3A_299 : vector<256x1024xf32>
    %reduce_min3A_301 = arith.constant dense<0x7F800000> : vector<256xf32>
    %reduce_min3A_302 = vector.multi_reduction <minimumf>, %sqrt3A_300, %reduce_min3A_301 [1] : vector<256x1024xf32> to vector<256xf32>
    %broadcast_in_dim3A_303 = vector.shape_cast %reduce_min3A_302 : vector<256xf32> to vector<256x1xf32>
    %iota3A_304 = tpu.iota {dimensions = array<i32: 1>} : vector<256x1024xi32>
    %eq3A_305 = vector.broadcast %broadcast_in_dim3A_303 : vector<256x1xf32> to vector<256x1024xf32>
    %eq3A_306 = arith.cmpf oeq, %sqrt3A_300, %eq3A_305 : vector<256x1024xf32>
    %jit3A_307 = arith.constant 1024 : i32
    %broadcast_in_dim3A_308 = vector.broadcast %jit3A_307 : i32 to vector<256x1024xi32>
    %select_n3A_309 = arith.select %eq3A_306, %iota3A_304, %broadcast_in_dim3A_308 : vector<256x1024xi1>, vector<256x1024xi32>
    %reduce_min3A_310 = arith.constant dense<2147483647> : vector<256xi32>
    %reduce_min3A_311 = vector.multi_reduction <minsi>, %select_n3A_309, %reduce_min3A_310 [1] : vector<256x1024xi32> to vector<256xi32>
    %broadcast_in_dim3A_312 = vector.shape_cast %reduce_min3A_311 : vector<256xi32> to vector<256x1xi32>
    %slice3A_313 = vector.extract_strided_slice %add3A_33 {offsets = [0, 320], sizes = [256, 64], strides = [1, 1]} : vector<256x1024xf32> to vector<256x64xf32>
    %dot_general3A_314 = arith.constant dense<0.000000e+00> : vector<256x1024xf32>
    %dot_general3A_315 = tpu.matmul %slice3A_313, %get3A_38, %dot_general3A_314 {dimension_numbers = #tpu.dot_dimension_numbers<[1], [1], [0], [0], [0, 0, 1, 0], [], []>, transpose_lhs_hint = false} : vector<256x64xf32>, vector<1024x64xf32>, vector<256x1024xf32> -> vector<256x1024xf32>
    %mul3A_316 = arith.mulf %slice3A_313, %slice3A_313 : vector<256x64xf32>
    %slice3A_317 = vector.extract_strided_slice %mul3A_316 {offsets = [0, 0], sizes = [256, 8], strides = [1, 1]} : vector<256x64xf32> to vector<256x8xf32>
    %slice3A_318 = vector.extract_strided_slice %mul3A_316 {offsets = [0, 8], sizes = [256, 8], strides = [1, 1]} : vector<256x64xf32> to vector<256x8xf32>
    %add3A_319 = arith.addf %slice3A_317, %slice3A_318 : vector<256x8xf32>
    %slice3A_320 = vector.extract_strided_slice %mul3A_316 {offsets = [0, 16], sizes = [256, 8], strides = [1, 1]} : vector<256x64xf32> to vector<256x8xf32>
    %add3A_321 = arith.addf %add3A_319, %slice3A_320 : vector<256x8xf32>
    %slice3A_322 = vector.extract_strided_slice %mul3A_316 {offsets = [0, 24], sizes = [256, 8], strides = [1, 1]} : vector<256x64xf32> to vector<256x8xf32>
    %add3A_323 = arith.addf %add3A_321, %slice3A_322 : vector<256x8xf32>
    %slice3A_324 = vector.extract_strided_slice %mul3A_316 {offsets = [0, 32], sizes = [256, 8], strides = [1, 1]} : vector<256x64xf32> to vector<256x8xf32>
    %add3A_325 = arith.addf %add3A_323, %slice3A_324 : vector<256x8xf32>
    %slice3A_326 = vector.extract_strided_slice %mul3A_316 {offsets = [0, 40], sizes = [256, 8], strides = [1, 1]} : vector<256x64xf32> to vector<256x8xf32>
    %add3A_327 = arith.addf %add3A_325, %slice3A_326 : vector<256x8xf32>
    %slice3A_328 = vector.extract_strided_slice %mul3A_316 {offsets = [0, 48], sizes = [256, 8], strides = [1, 1]} : vector<256x64xf32> to vector<256x8xf32>
    %add3A_329 = arith.addf %add3A_327, %slice3A_328 : vector<256x8xf32>
    %slice3A_330 = vector.extract_strided_slice %mul3A_316 {offsets = [0, 56], sizes = [256, 8], strides = [1, 1]} : vector<256x64xf32> to vector<256x8xf32>
    %add3A_331 = arith.addf %add3A_329, %slice3A_330 : vector<256x8xf32>
    %slice3A_332 = vector.extract_strided_slice %add3A_331 {offsets = [0, 0], sizes = [256, 4], strides = [1, 1]} : vector<256x8xf32> to vector<256x4xf32>
    %slice3A_333 = vector.extract_strided_slice %add3A_331 {offsets = [0, 4], sizes = [256, 4], strides = [1, 1]} : vector<256x8xf32> to vector<256x4xf32>
    %add3A_334 = arith.addf %slice3A_332, %slice3A_333 : vector<256x4xf32>
    %slice3A_335 = vector.extract_strided_slice %add3A_334 {offsets = [0, 0], sizes = [256, 2], strides = [1, 1]} : vector<256x4xf32> to vector<256x2xf32>
    %slice3A_336 = vector.extract_strided_slice %add3A_334 {offsets = [0, 2], sizes = [256, 2], strides = [1, 1]} : vector<256x4xf32> to vector<256x2xf32>
    %add3A_337 = arith.addf %slice3A_335, %slice3A_336 : vector<256x2xf32>
    %slice3A_338 = vector.extract_strided_slice %add3A_337 {offsets = [0, 0], sizes = [256, 1], strides = [1, 1]} : vector<256x2xf32> to vector<256x1xf32>
    %slice3A_339 = vector.extract_strided_slice %add3A_337 {offsets = [0, 1], sizes = [256, 1], strides = [1, 1]} : vector<256x2xf32> to vector<256x1xf32>
    %add3A_340 = arith.addf %slice3A_338, %slice3A_339 : vector<256x1xf32>
    %add3A_341 = vector.broadcast %add3A_340 : vector<256x1xf32> to vector<256x1024xf32>
    %add3A_342 = vector.broadcast %add3A_64 : vector<1x1024xf32> to vector<256x1024xf32>
    %add3A_343 = arith.addf %add3A_341, %add3A_342 : vector<256x1024xf32>
    %mul3A_344 = arith.constant 2.000000e+00 : f32
    %mul3A_345 = vector.broadcast %mul3A_344 : f32 to vector<256x1024xf32>
    %mul3A_346 = arith.mulf %mul3A_345, %dot_general3A_315 : vector<256x1024xf32>
    %sub3A_347 = arith.subf %add3A_343, %mul3A_346 : vector<256x1024xf32>
    %max3A_348 = arith.constant 0.000000e+00 : f32
    %max3A_349 = vector.broadcast %max3A_348 : f32 to vector<256x1024xf32>
    %max3A_350 = arith.maximumf %sub3A_347, %max3A_349 : vector<256x1024xf32>
    %sqrt3A_351 = math.sqrt %max3A_350 : vector<256x1024xf32>
    %reduce_min3A_352 = arith.constant dense<0x7F800000> : vector<256xf32>
    %reduce_min3A_353 = vector.multi_reduction <minimumf>, %sqrt3A_351, %reduce_min3A_352 [1] : vector<256x1024xf32> to vector<256xf32>
    %broadcast_in_dim3A_354 = vector.shape_cast %reduce_min3A_353 : vector<256xf32> to vector<256x1xf32>
    %iota3A_355 = tpu.iota {dimensions = array<i32: 1>} : vector<256x1024xi32>
    %eq3A_356 = vector.broadcast %broadcast_in_dim3A_354 : vector<256x1xf32> to vector<256x1024xf32>
    %eq3A_357 = arith.cmpf oeq, %sqrt3A_351, %eq3A_356 : vector<256x1024xf32>
    %jit3A_358 = arith.constant 1024 : i32
    %broadcast_in_dim3A_359 = vector.broadcast %jit3A_358 : i32 to vector<256x1024xi32>
    %select_n3A_360 = arith.select %eq3A_357, %iota3A_355, %broadcast_in_dim3A_359 : vector<256x1024xi1>, vector<256x1024xi32>
    %reduce_min3A_361 = arith.constant dense<2147483647> : vector<256xi32>
    %reduce_min3A_362 = vector.multi_reduction <minsi>, %select_n3A_360, %reduce_min3A_361 [1] : vector<256x1024xi32> to vector<256xi32>
    %broadcast_in_dim3A_363 = vector.shape_cast %reduce_min3A_362 : vector<256xi32> to vector<256x1xi32>
    %slice3A_364 = vector.extract_strided_slice %add3A_33 {offsets = [0, 384], sizes = [256, 64], strides = [1, 1]} : vector<256x1024xf32> to vector<256x64xf32>
    %dot_general3A_365 = arith.constant dense<0.000000e+00> : vector<256x1024xf32>
    %dot_general3A_366 = tpu.matmul %slice3A_364, %get3A_38, %dot_general3A_365 {dimension_numbers = #tpu.dot_dimension_numbers<[1], [1], [0], [0], [0, 0, 1, 0], [], []>, transpose_lhs_hint = false} : vector<256x64xf32>, vector<1024x64xf32>, vector<256x1024xf32> -> vector<256x1024xf32>
    %mul3A_367 = arith.mulf %slice3A_364, %slice3A_364 : vector<256x64xf32>
    %slice3A_368 = vector.extract_strided_slice %mul3A_367 {offsets = [0, 0], sizes = [256, 8], strides = [1, 1]} : vector<256x64xf32> to vector<256x8xf32>
    %slice3A_369 = vector.extract_strided_slice %mul3A_367 {offsets = [0, 8], sizes = [256, 8], strides = [1, 1]} : vector<256x64xf32> to vector<256x8xf32>
    %add3A_370 = arith.addf %slice3A_368, %slice3A_369 : vector<256x8xf32>
    %slice3A_371 = vector.extract_strided_slice %mul3A_367 {offsets = [0, 16], sizes = [256, 8], strides = [1, 1]} : vector<256x64xf32> to vector<256x8xf32>
    %add3A_372 = arith.addf %add3A_370, %slice3A_371 : vector<256x8xf32>
    %slice3A_373 = vector.extract_strided_slice %mul3A_367 {offsets = [0, 24], sizes = [256, 8], strides = [1, 1]} : vector<256x64xf32> to vector<256x8xf32>
    %add3A_374 = arith.addf %add3A_372, %slice3A_373 : vector<256x8xf32>
    %slice3A_375 = vector.extract_strided_slice %mul3A_367 {offsets = [0, 32], sizes = [256, 8], strides = [1, 1]} : vector<256x64xf32> to vector<256x8xf32>
    %add3A_376 = arith.addf %add3A_374, %slice3A_375 : vector<256x8xf32>
    %slice3A_377 = vector.extract_strided_slice %mul3A_367 {offsets = [0, 40], sizes = [256, 8], strides = [1, 1]} : vector<256x64xf32> to vector<256x8xf32>
    %add3A_378 = arith.addf %add3A_376, %slice3A_377 : vector<256x8xf32>
    %slice3A_379 = vector.extract_strided_slice %mul3A_367 {offsets = [0, 48], sizes = [256, 8], strides = [1, 1]} : vector<256x64xf32> to vector<256x8xf32>
    %add3A_380 = arith.addf %add3A_378, %slice3A_379 : vector<256x8xf32>
    %slice3A_381 = vector.extract_strided_slice %mul3A_367 {offsets = [0, 56], sizes = [256, 8], strides = [1, 1]} : vector<256x64xf32> to vector<256x8xf32>
    %add3A_382 = arith.addf %add3A_380, %slice3A_381 : vector<256x8xf32>
    %slice3A_383 = vector.extract_strided_slice %add3A_382 {offsets = [0, 0], sizes = [256, 4], strides = [1, 1]} : vector<256x8xf32> to vector<256x4xf32>
    %slice3A_384 = vector.extract_strided_slice %add3A_382 {offsets = [0, 4], sizes = [256, 4], strides = [1, 1]} : vector<256x8xf32> to vector<256x4xf32>
    %add3A_385 = arith.addf %slice3A_383, %slice3A_384 : vector<256x4xf32>
    %slice3A_386 = vector.extract_strided_slice %add3A_385 {offsets = [0, 0], sizes = [256, 2], strides = [1, 1]} : vector<256x4xf32> to vector<256x2xf32>
    %slice3A_387 = vector.extract_strided_slice %add3A_385 {offsets = [0, 2], sizes = [256, 2], strides = [1, 1]} : vector<256x4xf32> to vector<256x2xf32>
    %add3A_388 = arith.addf %slice3A_386, %slice3A_387 : vector<256x2xf32>
    %slice3A_389 = vector.extract_strided_slice %add3A_388 {offsets = [0, 0], sizes = [256, 1], strides = [1, 1]} : vector<256x2xf32> to vector<256x1xf32>
    %slice3A_390 = vector.extract_strided_slice %add3A_388 {offsets = [0, 1], sizes = [256, 1], strides = [1, 1]} : vector<256x2xf32> to vector<256x1xf32>
    %add3A_391 = arith.addf %slice3A_389, %slice3A_390 : vector<256x1xf32>
    %add3A_392 = vector.broadcast %add3A_391 : vector<256x1xf32> to vector<256x1024xf32>
    %add3A_393 = vector.broadcast %add3A_64 : vector<1x1024xf32> to vector<256x1024xf32>
    %add3A_394 = arith.addf %add3A_392, %add3A_393 : vector<256x1024xf32>
    %mul3A_395 = arith.constant 2.000000e+00 : f32
    %mul3A_396 = vector.broadcast %mul3A_395 : f32 to vector<256x1024xf32>
    %mul3A_397 = arith.mulf %mul3A_396, %dot_general3A_366 : vector<256x1024xf32>
    %sub3A_398 = arith.subf %add3A_394, %mul3A_397 : vector<256x1024xf32>
    %max3A_399 = arith.constant 0.000000e+00 : f32
    %max3A_400 = vector.broadcast %max3A_399 : f32 to vector<256x1024xf32>
    %max3A_401 = arith.maximumf %sub3A_398, %max3A_400 : vector<256x1024xf32>
    %sqrt3A_402 = math.sqrt %max3A_401 : vector<256x1024xf32>
    %reduce_min3A_403 = arith.constant dense<0x7F800000> : vector<256xf32>
    %reduce_min3A_404 = vector.multi_reduction <minimumf>, %sqrt3A_402, %reduce_min3A_403 [1] : vector<256x1024xf32> to vector<256xf32>
    %broadcast_in_dim3A_405 = vector.shape_cast %reduce_min3A_404 : vector<256xf32> to vector<256x1xf32>
    %iota3A_406 = tpu.iota {dimensions = array<i32: 1>} : vector<256x1024xi32>
    %eq3A_407 = vector.broadcast %broadcast_in_dim3A_405 : vector<256x1xf32> to vector<256x1024xf32>
    %eq3A_408 = arith.cmpf oeq, %sqrt3A_402, %eq3A_407 : vector<256x1024xf32>
    %jit3A_409 = arith.constant 1024 : i32
    %broadcast_in_dim3A_410 = vector.broadcast %jit3A_409 : i32 to vector<256x1024xi32>
    %select_n3A_411 = arith.select %eq3A_408, %iota3A_406, %broadcast_in_dim3A_410 : vector<256x1024xi1>, vector<256x1024xi32>
    %reduce_min3A_412 = arith.constant dense<2147483647> : vector<256xi32>
    %reduce_min3A_413 = vector.multi_reduction <minsi>, %select_n3A_411, %reduce_min3A_412 [1] : vector<256x1024xi32> to vector<256xi32>
    %broadcast_in_dim3A_414 = vector.shape_cast %reduce_min3A_413 : vector<256xi32> to vector<256x1xi32>
    %slice3A_415 = vector.extract_strided_slice %add3A_33 {offsets = [0, 448], sizes = [256, 64], strides = [1, 1]} : vector<256x1024xf32> to vector<256x64xf32>
    %dot_general3A_416 = arith.constant dense<0.000000e+00> : vector<256x1024xf32>
    %dot_general3A_417 = tpu.matmul %slice3A_415, %get3A_38, %dot_general3A_416 {dimension_numbers = #tpu.dot_dimension_numbers<[1], [1], [0], [0], [0, 0, 1, 0], [], []>, transpose_lhs_hint = false} : vector<256x64xf32>, vector<1024x64xf32>, vector<256x1024xf32> -> vector<256x1024xf32>
    %mul3A_418 = arith.mulf %slice3A_415, %slice3A_415 : vector<256x64xf32>
    %slice3A_419 = vector.extract_strided_slice %mul3A_418 {offsets = [0, 0], sizes = [256, 8], strides = [1, 1]} : vector<256x64xf32> to vector<256x8xf32>
    %slice3A_420 = vector.extract_strided_slice %mul3A_418 {offsets = [0, 8], sizes = [256, 8], strides = [1, 1]} : vector<256x64xf32> to vector<256x8xf32>
    %add3A_421 = arith.addf %slice3A_419, %slice3A_420 : vector<256x8xf32>
    %slice3A_422 = vector.extract_strided_slice %mul3A_418 {offsets = [0, 16], sizes = [256, 8], strides = [1, 1]} : vector<256x64xf32> to vector<256x8xf32>
    %add3A_423 = arith.addf %add3A_421, %slice3A_422 : vector<256x8xf32>
    %slice3A_424 = vector.extract_strided_slice %mul3A_418 {offsets = [0, 24], sizes = [256, 8], strides = [1, 1]} : vector<256x64xf32> to vector<256x8xf32>
    %add3A_425 = arith.addf %add3A_423, %slice3A_424 : vector<256x8xf32>
    %slice3A_426 = vector.extract_strided_slice %mul3A_418 {offsets = [0, 32], sizes = [256, 8], strides = [1, 1]} : vector<256x64xf32> to vector<256x8xf32>
    %add3A_427 = arith.addf %add3A_425, %slice3A_426 : vector<256x8xf32>
    %slice3A_428 = vector.extract_strided_slice %mul3A_418 {offsets = [0, 40], sizes = [256, 8], strides = [1, 1]} : vector<256x64xf32> to vector<256x8xf32>
    %add3A_429 = arith.addf %add3A_427, %slice3A_428 : vector<256x8xf32>
    %slice3A_430 = vector.extract_strided_slice %mul3A_418 {offsets = [0, 48], sizes = [256, 8], strides = [1, 1]} : vector<256x64xf32> to vector<256x8xf32>
    %add3A_431 = arith.addf %add3A_429, %slice3A_430 : vector<256x8xf32>
    %slice3A_432 = vector.extract_strided_slice %mul3A_418 {offsets = [0, 56], sizes = [256, 8], strides = [1, 1]} : vector<256x64xf32> to vector<256x8xf32>
    %add3A_433 = arith.addf %add3A_431, %slice3A_432 : vector<256x8xf32>
    %slice3A_434 = vector.extract_strided_slice %add3A_433 {offsets = [0, 0], sizes = [256, 4], strides = [1, 1]} : vector<256x8xf32> to vector<256x4xf32>
    %slice3A_435 = vector.extract_strided_slice %add3A_433 {offsets = [0, 4], sizes = [256, 4], strides = [1, 1]} : vector<256x8xf32> to vector<256x4xf32>
    %add3A_436 = arith.addf %slice3A_434, %slice3A_435 : vector<256x4xf32>
    %slice3A_437 = vector.extract_strided_slice %add3A_436 {offsets = [0, 0], sizes = [256, 2], strides = [1, 1]} : vector<256x4xf32> to vector<256x2xf32>
    %slice3A_438 = vector.extract_strided_slice %add3A_436 {offsets = [0, 2], sizes = [256, 2], strides = [1, 1]} : vector<256x4xf32> to vector<256x2xf32>
    %add3A_439 = arith.addf %slice3A_437, %slice3A_438 : vector<256x2xf32>
    %slice3A_440 = vector.extract_strided_slice %add3A_439 {offsets = [0, 0], sizes = [256, 1], strides = [1, 1]} : vector<256x2xf32> to vector<256x1xf32>
    %slice3A_441 = vector.extract_strided_slice %add3A_439 {offsets = [0, 1], sizes = [256, 1], strides = [1, 1]} : vector<256x2xf32> to vector<256x1xf32>
    %add3A_442 = arith.addf %slice3A_440, %slice3A_441 : vector<256x1xf32>
    %add3A_443 = vector.broadcast %add3A_442 : vector<256x1xf32> to vector<256x1024xf32>
    %add3A_444 = vector.broadcast %add3A_64 : vector<1x1024xf32> to vector<256x1024xf32>
    %add3A_445 = arith.addf %add3A_443, %add3A_444 : vector<256x1024xf32>
    %mul3A_446 = arith.constant 2.000000e+00 : f32
    %mul3A_447 = vector.broadcast %mul3A_446 : f32 to vector<256x1024xf32>
    %mul3A_448 = arith.mulf %mul3A_447, %dot_general3A_417 : vector<256x1024xf32>
    %sub3A_449 = arith.subf %add3A_445, %mul3A_448 : vector<256x1024xf32>
    %max3A_450 = arith.constant 0.000000e+00 : f32
    %max3A_451 = vector.broadcast %max3A_450 : f32 to vector<256x1024xf32>
    %max3A_452 = arith.maximumf %sub3A_449, %max3A_451 : vector<256x1024xf32>
    %sqrt3A_453 = math.sqrt %max3A_452 : vector<256x1024xf32>
    %reduce_min3A_454 = arith.constant dense<0x7F800000> : vector<256xf32>
    %reduce_min3A_455 = vector.multi_reduction <minimumf>, %sqrt3A_453, %reduce_min3A_454 [1] : vector<256x1024xf32> to vector<256xf32>
    %broadcast_in_dim3A_456 = vector.shape_cast %reduce_min3A_455 : vector<256xf32> to vector<256x1xf32>
    %iota3A_457 = tpu.iota {dimensions = array<i32: 1>} : vector<256x1024xi32>
    %eq3A_458 = vector.broadcast %broadcast_in_dim3A_456 : vector<256x1xf32> to vector<256x1024xf32>
    %eq3A_459 = arith.cmpf oeq, %sqrt3A_453, %eq3A_458 : vector<256x1024xf32>
    %jit3A_460 = arith.constant 1024 : i32
    %broadcast_in_dim3A_461 = vector.broadcast %jit3A_460 : i32 to vector<256x1024xi32>
    %select_n3A_462 = arith.select %eq3A_459, %iota3A_457, %broadcast_in_dim3A_461 : vector<256x1024xi1>, vector<256x1024xi32>
    %reduce_min3A_463 = arith.constant dense<2147483647> : vector<256xi32>
    %reduce_min3A_464 = vector.multi_reduction <minsi>, %select_n3A_462, %reduce_min3A_463 [1] : vector<256x1024xi32> to vector<256xi32>
    %broadcast_in_dim3A_465 = vector.shape_cast %reduce_min3A_464 : vector<256xi32> to vector<256x1xi32>
    %slice3A_466 = vector.extract_strided_slice %add3A_33 {offsets = [0, 512], sizes = [256, 64], strides = [1, 1]} : vector<256x1024xf32> to vector<256x64xf32>
    %dot_general3A_467 = arith.constant dense<0.000000e+00> : vector<256x1024xf32>
    %dot_general3A_468 = tpu.matmul %slice3A_466, %get3A_38, %dot_general3A_467 {dimension_numbers = #tpu.dot_dimension_numbers<[1], [1], [0], [0], [0, 0, 1, 0], [], []>, transpose_lhs_hint = false} : vector<256x64xf32>, vector<1024x64xf32>, vector<256x1024xf32> -> vector<256x1024xf32>
    %mul3A_469 = arith.mulf %slice3A_466, %slice3A_466 : vector<256x64xf32>
    %slice3A_470 = vector.extract_strided_slice %mul3A_469 {offsets = [0, 0], sizes = [256, 8], strides = [1, 1]} : vector<256x64xf32> to vector<256x8xf32>
    %slice3A_471 = vector.extract_strided_slice %mul3A_469 {offsets = [0, 8], sizes = [256, 8], strides = [1, 1]} : vector<256x64xf32> to vector<256x8xf32>
    %add3A_472 = arith.addf %slice3A_470, %slice3A_471 : vector<256x8xf32>
    %slice3A_473 = vector.extract_strided_slice %mul3A_469 {offsets = [0, 16], sizes = [256, 8], strides = [1, 1]} : vector<256x64xf32> to vector<256x8xf32>
    %add3A_474 = arith.addf %add3A_472, %slice3A_473 : vector<256x8xf32>
    %slice3A_475 = vector.extract_strided_slice %mul3A_469 {offsets = [0, 24], sizes = [256, 8], strides = [1, 1]} : vector<256x64xf32> to vector<256x8xf32>
    %add3A_476 = arith.addf %add3A_474, %slice3A_475 : vector<256x8xf32>
    %slice3A_477 = vector.extract_strided_slice %mul3A_469 {offsets = [0, 32], sizes = [256, 8], strides = [1, 1]} : vector<256x64xf32> to vector<256x8xf32>
    %add3A_478 = arith.addf %add3A_476, %slice3A_477 : vector<256x8xf32>
    %slice3A_479 = vector.extract_strided_slice %mul3A_469 {offsets = [0, 40], sizes = [256, 8], strides = [1, 1]} : vector<256x64xf32> to vector<256x8xf32>
    %add3A_480 = arith.addf %add3A_478, %slice3A_479 : vector<256x8xf32>
    %slice3A_481 = vector.extract_strided_slice %mul3A_469 {offsets = [0, 48], sizes = [256, 8], strides = [1, 1]} : vector<256x64xf32> to vector<256x8xf32>
    %add3A_482 = arith.addf %add3A_480, %slice3A_481 : vector<256x8xf32>
    %slice3A_483 = vector.extract_strided_slice %mul3A_469 {offsets = [0, 56], sizes = [256, 8], strides = [1, 1]} : vector<256x64xf32> to vector<256x8xf32>
    %add3A_484 = arith.addf %add3A_482, %slice3A_483 : vector<256x8xf32>
    %slice3A_485 = vector.extract_strided_slice %add3A_484 {offsets = [0, 0], sizes = [256, 4], strides = [1, 1]} : vector<256x8xf32> to vector<256x4xf32>
    %slice3A_486 = vector.extract_strided_slice %add3A_484 {offsets = [0, 4], sizes = [256, 4], strides = [1, 1]} : vector<256x8xf32> to vector<256x4xf32>
    %add3A_487 = arith.addf %slice3A_485, %slice3A_486 : vector<256x4xf32>
    %slice3A_488 = vector.extract_strided_slice %add3A_487 {offsets = [0, 0], sizes = [256, 2], strides = [1, 1]} : vector<256x4xf32> to vector<256x2xf32>
    %slice3A_489 = vector.extract_strided_slice %add3A_487 {offsets = [0, 2], sizes = [256, 2], strides = [1, 1]} : vector<256x4xf32> to vector<256x2xf32>
    %add3A_490 = arith.addf %slice3A_488, %slice3A_489 : vector<256x2xf32>
    %slice3A_491 = vector.extract_strided_slice %add3A_490 {offsets = [0, 0], sizes = [256, 1], strides = [1, 1]} : vector<256x2xf32> to vector<256x1xf32>
    %slice3A_492 = vector.extract_strided_slice %add3A_490 {offsets = [0, 1], sizes = [256, 1], strides = [1, 1]} : vector<256x2xf32> to vector<256x1xf32>
    %add3A_493 = arith.addf %slice3A_491, %slice3A_492 : vector<256x1xf32>
    %add3A_494 = vector.broadcast %add3A_493 : vector<256x1xf32> to vector<256x1024xf32>
    %add3A_495 = vector.broadcast %add3A_64 : vector<1x1024xf32> to vector<256x1024xf32>
    %add3A_496 = arith.addf %add3A_494, %add3A_495 : vector<256x1024xf32>
    %mul3A_497 = arith.constant 2.000000e+00 : f32
    %mul3A_498 = vector.broadcast %mul3A_497 : f32 to vector<256x1024xf32>
    %mul3A_499 = arith.mulf %mul3A_498, %dot_general3A_468 : vector<256x1024xf32>
    %sub3A_500 = arith.subf %add3A_496, %mul3A_499 : vector<256x1024xf32>
    %max3A_501 = arith.constant 0.000000e+00 : f32
    %max3A_502 = vector.broadcast %max3A_501 : f32 to vector<256x1024xf32>
    %max3A_503 = arith.maximumf %sub3A_500, %max3A_502 : vector<256x1024xf32>
    %sqrt3A_504 = math.sqrt %max3A_503 : vector<256x1024xf32>
    %reduce_min3A_505 = arith.constant dense<0x7F800000> : vector<256xf32>
    %reduce_min3A_506 = vector.multi_reduction <minimumf>, %sqrt3A_504, %reduce_min3A_505 [1] : vector<256x1024xf32> to vector<256xf32>
    %broadcast_in_dim3A_507 = vector.shape_cast %reduce_min3A_506 : vector<256xf32> to vector<256x1xf32>
    %iota3A_508 = tpu.iota {dimensions = array<i32: 1>} : vector<256x1024xi32>
    %eq3A_509 = vector.broadcast %broadcast_in_dim3A_507 : vector<256x1xf32> to vector<256x1024xf32>
    %eq3A_510 = arith.cmpf oeq, %sqrt3A_504, %eq3A_509 : vector<256x1024xf32>
    %jit3A_511 = arith.constant 1024 : i32
    %broadcast_in_dim3A_512 = vector.broadcast %jit3A_511 : i32 to vector<256x1024xi32>
    %select_n3A_513 = arith.select %eq3A_510, %iota3A_508, %broadcast_in_dim3A_512 : vector<256x1024xi1>, vector<256x1024xi32>
    %reduce_min3A_514 = arith.constant dense<2147483647> : vector<256xi32>
    %reduce_min3A_515 = vector.multi_reduction <minsi>, %select_n3A_513, %reduce_min3A_514 [1] : vector<256x1024xi32> to vector<256xi32>
    %broadcast_in_dim3A_516 = vector.shape_cast %reduce_min3A_515 : vector<256xi32> to vector<256x1xi32>
    %slice3A_517 = vector.extract_strided_slice %add3A_33 {offsets = [0, 576], sizes = [256, 64], strides = [1, 1]} : vector<256x1024xf32> to vector<256x64xf32>
    %dot_general3A_518 = arith.constant dense<0.000000e+00> : vector<256x1024xf32>
    %dot_general3A_519 = tpu.matmul %slice3A_517, %get3A_38, %dot_general3A_518 {dimension_numbers = #tpu.dot_dimension_numbers<[1], [1], [0], [0], [0, 0, 1, 0], [], []>, transpose_lhs_hint = false} : vector<256x64xf32>, vector<1024x64xf32>, vector<256x1024xf32> -> vector<256x1024xf32>
    %mul3A_520 = arith.mulf %slice3A_517, %slice3A_517 : vector<256x64xf32>
    %slice3A_521 = vector.extract_strided_slice %mul3A_520 {offsets = [0, 0], sizes = [256, 8], strides = [1, 1]} : vector<256x64xf32> to vector<256x8xf32>
    %slice3A_522 = vector.extract_strided_slice %mul3A_520 {offsets = [0, 8], sizes = [256, 8], strides = [1, 1]} : vector<256x64xf32> to vector<256x8xf32>
    %add3A_523 = arith.addf %slice3A_521, %slice3A_522 : vector<256x8xf32>
    %slice3A_524 = vector.extract_strided_slice %mul3A_520 {offsets = [0, 16], sizes = [256, 8], strides = [1, 1]} : vector<256x64xf32> to vector<256x8xf32>
    %add3A_525 = arith.addf %add3A_523, %slice3A_524 : vector<256x8xf32>
    %slice3A_526 = vector.extract_strided_slice %mul3A_520 {offsets = [0, 24], sizes = [256, 8], strides = [1, 1]} : vector<256x64xf32> to vector<256x8xf32>
    %add3A_527 = arith.addf %add3A_525, %slice3A_526 : vector<256x8xf32>
    %slice3A_528 = vector.extract_strided_slice %mul3A_520 {offsets = [0, 32], sizes = [256, 8], strides = [1, 1]} : vector<256x64xf32> to vector<256x8xf32>
    %add3A_529 = arith.addf %add3A_527, %slice3A_528 : vector<256x8xf32>
    %slice3A_530 = vector.extract_strided_slice %mul3A_520 {offsets = [0, 40], sizes = [256, 8], strides = [1, 1]} : vector<256x64xf32> to vector<256x8xf32>
    %add3A_531 = arith.addf %add3A_529, %slice3A_530 : vector<256x8xf32>
    %slice3A_532 = vector.extract_strided_slice %mul3A_520 {offsets = [0, 48], sizes = [256, 8], strides = [1, 1]} : vector<256x64xf32> to vector<256x8xf32>
    %add3A_533 = arith.addf %add3A_531, %slice3A_532 : vector<256x8xf32>
    %slice3A_534 = vector.extract_strided_slice %mul3A_520 {offsets = [0, 56], sizes = [256, 8], strides = [1, 1]} : vector<256x64xf32> to vector<256x8xf32>
    %add3A_535 = arith.addf %add3A_533, %slice3A_534 : vector<256x8xf32>
    %slice3A_536 = vector.extract_strided_slice %add3A_535 {offsets = [0, 0], sizes = [256, 4], strides = [1, 1]} : vector<256x8xf32> to vector<256x4xf32>
    %slice3A_537 = vector.extract_strided_slice %add3A_535 {offsets = [0, 4], sizes = [256, 4], strides = [1, 1]} : vector<256x8xf32> to vector<256x4xf32>
    %add3A_538 = arith.addf %slice3A_536, %slice3A_537 : vector<256x4xf32>
    %slice3A_539 = vector.extract_strided_slice %add3A_538 {offsets = [0, 0], sizes = [256, 2], strides = [1, 1]} : vector<256x4xf32> to vector<256x2xf32>
    %slice3A_540 = vector.extract_strided_slice %add3A_538 {offsets = [0, 2], sizes = [256, 2], strides = [1, 1]} : vector<256x4xf32> to vector<256x2xf32>
    %add3A_541 = arith.addf %slice3A_539, %slice3A_540 : vector<256x2xf32>
    %slice3A_542 = vector.extract_strided_slice %add3A_541 {offsets = [0, 0], sizes = [256, 1], strides = [1, 1]} : vector<256x2xf32> to vector<256x1xf32>
    %slice3A_543 = vector.extract_strided_slice %add3A_541 {offsets = [0, 1], sizes = [256, 1], strides = [1, 1]} : vector<256x2xf32> to vector<256x1xf32>
    %add3A_544 = arith.addf %slice3A_542, %slice3A_543 : vector<256x1xf32>
    %add3A_545 = vector.broadcast %add3A_544 : vector<256x1xf32> to vector<256x1024xf32>
    %add3A_546 = vector.broadcast %add3A_64 : vector<1x1024xf32> to vector<256x1024xf32>
    %add3A_547 = arith.addf %add3A_545, %add3A_546 : vector<256x1024xf32>
    %mul3A_548 = arith.constant 2.000000e+00 : f32
    %mul3A_549 = vector.broadcast %mul3A_548 : f32 to vector<256x1024xf32>
    %mul3A_550 = arith.mulf %mul3A_549, %dot_general3A_519 : vector<256x1024xf32>
    %sub3A_551 = arith.subf %add3A_547, %mul3A_550 : vector<256x1024xf32>
    %max3A_552 = arith.constant 0.000000e+00 : f32
    %max3A_553 = vector.broadcast %max3A_552 : f32 to vector<256x1024xf32>
    %max3A_554 = arith.maximumf %sub3A_551, %max3A_553 : vector<256x1024xf32>
    %sqrt3A_555 = math.sqrt %max3A_554 : vector<256x1024xf32>
    %reduce_min3A_556 = arith.constant dense<0x7F800000> : vector<256xf32>
    %reduce_min3A_557 = vector.multi_reduction <minimumf>, %sqrt3A_555, %reduce_min3A_556 [1] : vector<256x1024xf32> to vector<256xf32>
    %broadcast_in_dim3A_558 = vector.shape_cast %reduce_min3A_557 : vector<256xf32> to vector<256x1xf32>
    %iota3A_559 = tpu.iota {dimensions = array<i32: 1>} : vector<256x1024xi32>
    %eq3A_560 = vector.broadcast %broadcast_in_dim3A_558 : vector<256x1xf32> to vector<256x1024xf32>
    %eq3A_561 = arith.cmpf oeq, %sqrt3A_555, %eq3A_560 : vector<256x1024xf32>
    %jit3A_562 = arith.constant 1024 : i32
    %broadcast_in_dim3A_563 = vector.broadcast %jit3A_562 : i32 to vector<256x1024xi32>
    %select_n3A_564 = arith.select %eq3A_561, %iota3A_559, %broadcast_in_dim3A_563 : vector<256x1024xi1>, vector<256x1024xi32>
    %reduce_min3A_565 = arith.constant dense<2147483647> : vector<256xi32>
    %reduce_min3A_566 = vector.multi_reduction <minsi>, %select_n3A_564, %reduce_min3A_565 [1] : vector<256x1024xi32> to vector<256xi32>
    %broadcast_in_dim3A_567 = vector.shape_cast %reduce_min3A_566 : vector<256xi32> to vector<256x1xi32>
    %slice3A_568 = vector.extract_strided_slice %add3A_33 {offsets = [0, 640], sizes = [256, 64], strides = [1, 1]} : vector<256x1024xf32> to vector<256x64xf32>
    %dot_general3A_569 = arith.constant dense<0.000000e+00> : vector<256x1024xf32>
    %dot_general3A_570 = tpu.matmul %slice3A_568, %get3A_38, %dot_general3A_569 {dimension_numbers = #tpu.dot_dimension_numbers<[1], [1], [0], [0], [0, 0, 1, 0], [], []>, transpose_lhs_hint = false} : vector<256x64xf32>, vector<1024x64xf32>, vector<256x1024xf32> -> vector<256x1024xf32>
    %mul3A_571 = arith.mulf %slice3A_568, %slice3A_568 : vector<256x64xf32>
    %slice3A_572 = vector.extract_strided_slice %mul3A_571 {offsets = [0, 0], sizes = [256, 8], strides = [1, 1]} : vector<256x64xf32> to vector<256x8xf32>
    %slice3A_573 = vector.extract_strided_slice %mul3A_571 {offsets = [0, 8], sizes = [256, 8], strides = [1, 1]} : vector<256x64xf32> to vector<256x8xf32>
    %add3A_574 = arith.addf %slice3A_572, %slice3A_573 : vector<256x8xf32>
    %slice3A_575 = vector.extract_strided_slice %mul3A_571 {offsets = [0, 16], sizes = [256, 8], strides = [1, 1]} : vector<256x64xf32> to vector<256x8xf32>
    %add3A_576 = arith.addf %add3A_574, %slice3A_575 : vector<256x8xf32>
    %slice3A_577 = vector.extract_strided_slice %mul3A_571 {offsets = [0, 24], sizes = [256, 8], strides = [1, 1]} : vector<256x64xf32> to vector<256x8xf32>
    %add3A_578 = arith.addf %add3A_576, %slice3A_577 : vector<256x8xf32>
    %slice3A_579 = vector.extract_strided_slice %mul3A_571 {offsets = [0, 32], sizes = [256, 8], strides = [1, 1]} : vector<256x64xf32> to vector<256x8xf32>
    %add3A_580 = arith.addf %add3A_578, %slice3A_579 : vector<256x8xf32>
    %slice3A_581 = vector.extract_strided_slice %mul3A_571 {offsets = [0, 40], sizes = [256, 8], strides = [1, 1]} : vector<256x64xf32> to vector<256x8xf32>
    %add3A_582 = arith.addf %add3A_580, %slice3A_581 : vector<256x8xf32>
    %slice3A_583 = vector.extract_strided_slice %mul3A_571 {offsets = [0, 48], sizes = [256, 8], strides = [1, 1]} : vector<256x64xf32> to vector<256x8xf32>
    %add3A_584 = arith.addf %add3A_582, %slice3A_583 : vector<256x8xf32>
    %slice3A_585 = vector.extract_strided_slice %mul3A_571 {offsets = [0, 56], sizes = [256, 8], strides = [1, 1]} : vector<256x64xf32> to vector<256x8xf32>
    %add3A_586 = arith.addf %add3A_584, %slice3A_585 : vector<256x8xf32>
    %slice3A_587 = vector.extract_strided_slice %add3A_586 {offsets = [0, 0], sizes = [256, 4], strides = [1, 1]} : vector<256x8xf32> to vector<256x4xf32>
    %slice3A_588 = vector.extract_strided_slice %add3A_586 {offsets = [0, 4], sizes = [256, 4], strides = [1, 1]} : vector<256x8xf32> to vector<256x4xf32>
    %add3A_589 = arith.addf %slice3A_587, %slice3A_588 : vector<256x4xf32>
    %slice3A_590 = vector.extract_strided_slice %add3A_589 {offsets = [0, 0], sizes = [256, 2], strides = [1, 1]} : vector<256x4xf32> to vector<256x2xf32>
    %slice3A_591 = vector.extract_strided_slice %add3A_589 {offsets = [0, 2], sizes = [256, 2], strides = [1, 1]} : vector<256x4xf32> to vector<256x2xf32>
    %add3A_592 = arith.addf %slice3A_590, %slice3A_591 : vector<256x2xf32>
    %slice3A_593 = vector.extract_strided_slice %add3A_592 {offsets = [0, 0], sizes = [256, 1], strides = [1, 1]} : vector<256x2xf32> to vector<256x1xf32>
    %slice3A_594 = vector.extract_strided_slice %add3A_592 {offsets = [0, 1], sizes = [256, 1], strides = [1, 1]} : vector<256x2xf32> to vector<256x1xf32>
    %add3A_595 = arith.addf %slice3A_593, %slice3A_594 : vector<256x1xf32>
    %add3A_596 = vector.broadcast %add3A_595 : vector<256x1xf32> to vector<256x1024xf32>
    %add3A_597 = vector.broadcast %add3A_64 : vector<1x1024xf32> to vector<256x1024xf32>
    %add3A_598 = arith.addf %add3A_596, %add3A_597 : vector<256x1024xf32>
    %mul3A_599 = arith.constant 2.000000e+00 : f32
    %mul3A_600 = vector.broadcast %mul3A_599 : f32 to vector<256x1024xf32>
    %mul3A_601 = arith.mulf %mul3A_600, %dot_general3A_570 : vector<256x1024xf32>
    %sub3A_602 = arith.subf %add3A_598, %mul3A_601 : vector<256x1024xf32>
    %max3A_603 = arith.constant 0.000000e+00 : f32
    %max3A_604 = vector.broadcast %max3A_603 : f32 to vector<256x1024xf32>
    %max3A_605 = arith.maximumf %sub3A_602, %max3A_604 : vector<256x1024xf32>
    %sqrt3A_606 = math.sqrt %max3A_605 : vector<256x1024xf32>
    %reduce_min3A_607 = arith.constant dense<0x7F800000> : vector<256xf32>
    %reduce_min3A_608 = vector.multi_reduction <minimumf>, %sqrt3A_606, %reduce_min3A_607 [1] : vector<256x1024xf32> to vector<256xf32>
    %broadcast_in_dim3A_609 = vector.shape_cast %reduce_min3A_608 : vector<256xf32> to vector<256x1xf32>
    %iota3A_610 = tpu.iota {dimensions = array<i32: 1>} : vector<256x1024xi32>
    %eq3A_611 = vector.broadcast %broadcast_in_dim3A_609 : vector<256x1xf32> to vector<256x1024xf32>
    %eq3A_612 = arith.cmpf oeq, %sqrt3A_606, %eq3A_611 : vector<256x1024xf32>
    %jit3A_613 = arith.constant 1024 : i32
    %broadcast_in_dim3A_614 = vector.broadcast %jit3A_613 : i32 to vector<256x1024xi32>
    %select_n3A_615 = arith.select %eq3A_612, %iota3A_610, %broadcast_in_dim3A_614 : vector<256x1024xi1>, vector<256x1024xi32>
    %reduce_min3A_616 = arith.constant dense<2147483647> : vector<256xi32>
    %reduce_min3A_617 = vector.multi_reduction <minsi>, %select_n3A_615, %reduce_min3A_616 [1] : vector<256x1024xi32> to vector<256xi32>
    %broadcast_in_dim3A_618 = vector.shape_cast %reduce_min3A_617 : vector<256xi32> to vector<256x1xi32>
    %slice3A_619 = vector.extract_strided_slice %add3A_33 {offsets = [0, 704], sizes = [256, 64], strides = [1, 1]} : vector<256x1024xf32> to vector<256x64xf32>
    %dot_general3A_620 = arith.constant dense<0.000000e+00> : vector<256x1024xf32>
    %dot_general3A_621 = tpu.matmul %slice3A_619, %get3A_38, %dot_general3A_620 {dimension_numbers = #tpu.dot_dimension_numbers<[1], [1], [0], [0], [0, 0, 1, 0], [], []>, transpose_lhs_hint = false} : vector<256x64xf32>, vector<1024x64xf32>, vector<256x1024xf32> -> vector<256x1024xf32>
    %mul3A_622 = arith.mulf %slice3A_619, %slice3A_619 : vector<256x64xf32>
    %slice3A_623 = vector.extract_strided_slice %mul3A_622 {offsets = [0, 0], sizes = [256, 8], strides = [1, 1]} : vector<256x64xf32> to vector<256x8xf32>
    %slice3A_624 = vector.extract_strided_slice %mul3A_622 {offsets = [0, 8], sizes = [256, 8], strides = [1, 1]} : vector<256x64xf32> to vector<256x8xf32>
    %add3A_625 = arith.addf %slice3A_623, %slice3A_624 : vector<256x8xf32>
    %slice3A_626 = vector.extract_strided_slice %mul3A_622 {offsets = [0, 16], sizes = [256, 8], strides = [1, 1]} : vector<256x64xf32> to vector<256x8xf32>
    %add3A_627 = arith.addf %add3A_625, %slice3A_626 : vector<256x8xf32>
    %slice3A_628 = vector.extract_strided_slice %mul3A_622 {offsets = [0, 24], sizes = [256, 8], strides = [1, 1]} : vector<256x64xf32> to vector<256x8xf32>
    %add3A_629 = arith.addf %add3A_627, %slice3A_628 : vector<256x8xf32>
    %slice3A_630 = vector.extract_strided_slice %mul3A_622 {offsets = [0, 32], sizes = [256, 8], strides = [1, 1]} : vector<256x64xf32> to vector<256x8xf32>
    %add3A_631 = arith.addf %add3A_629, %slice3A_630 : vector<256x8xf32>
    %slice3A_632 = vector.extract_strided_slice %mul3A_622 {offsets = [0, 40], sizes = [256, 8], strides = [1, 1]} : vector<256x64xf32> to vector<256x8xf32>
    %add3A_633 = arith.addf %add3A_631, %slice3A_632 : vector<256x8xf32>
    %slice3A_634 = vector.extract_strided_slice %mul3A_622 {offsets = [0, 48], sizes = [256, 8], strides = [1, 1]} : vector<256x64xf32> to vector<256x8xf32>
    %add3A_635 = arith.addf %add3A_633, %slice3A_634 : vector<256x8xf32>
    %slice3A_636 = vector.extract_strided_slice %mul3A_622 {offsets = [0, 56], sizes = [256, 8], strides = [1, 1]} : vector<256x64xf32> to vector<256x8xf32>
    %add3A_637 = arith.addf %add3A_635, %slice3A_636 : vector<256x8xf32>
    %slice3A_638 = vector.extract_strided_slice %add3A_637 {offsets = [0, 0], sizes = [256, 4], strides = [1, 1]} : vector<256x8xf32> to vector<256x4xf32>
    %slice3A_639 = vector.extract_strided_slice %add3A_637 {offsets = [0, 4], sizes = [256, 4], strides = [1, 1]} : vector<256x8xf32> to vector<256x4xf32>
    %add3A_640 = arith.addf %slice3A_638, %slice3A_639 : vector<256x4xf32>
    %slice3A_641 = vector.extract_strided_slice %add3A_640 {offsets = [0, 0], sizes = [256, 2], strides = [1, 1]} : vector<256x4xf32> to vector<256x2xf32>
    %slice3A_642 = vector.extract_strided_slice %add3A_640 {offsets = [0, 2], sizes = [256, 2], strides = [1, 1]} : vector<256x4xf32> to vector<256x2xf32>
    %add3A_643 = arith.addf %slice3A_641, %slice3A_642 : vector<256x2xf32>
    %slice3A_644 = vector.extract_strided_slice %add3A_643 {offsets = [0, 0], sizes = [256, 1], strides = [1, 1]} : vector<256x2xf32> to vector<256x1xf32>
    %slice3A_645 = vector.extract_strided_slice %add3A_643 {offsets = [0, 1], sizes = [256, 1], strides = [1, 1]} : vector<256x2xf32> to vector<256x1xf32>
    %add3A_646 = arith.addf %slice3A_644, %slice3A_645 : vector<256x1xf32>
    %add3A_647 = vector.broadcast %add3A_646 : vector<256x1xf32> to vector<256x1024xf32>
    %add3A_648 = vector.broadcast %add3A_64 : vector<1x1024xf32> to vector<256x1024xf32>
    %add3A_649 = arith.addf %add3A_647, %add3A_648 : vector<256x1024xf32>
    %mul3A_650 = arith.constant 2.000000e+00 : f32
    %mul3A_651 = vector.broadcast %mul3A_650 : f32 to vector<256x1024xf32>
    %mul3A_652 = arith.mulf %mul3A_651, %dot_general3A_621 : vector<256x1024xf32>
    %sub3A_653 = arith.subf %add3A_649, %mul3A_652 : vector<256x1024xf32>
    %max3A_654 = arith.constant 0.000000e+00 : f32
    %max3A_655 = vector.broadcast %max3A_654 : f32 to vector<256x1024xf32>
    %max3A_656 = arith.maximumf %sub3A_653, %max3A_655 : vector<256x1024xf32>
    %sqrt3A_657 = math.sqrt %max3A_656 : vector<256x1024xf32>
    %reduce_min3A_658 = arith.constant dense<0x7F800000> : vector<256xf32>
    %reduce_min3A_659 = vector.multi_reduction <minimumf>, %sqrt3A_657, %reduce_min3A_658 [1] : vector<256x1024xf32> to vector<256xf32>
    %broadcast_in_dim3A_660 = vector.shape_cast %reduce_min3A_659 : vector<256xf32> to vector<256x1xf32>
    %iota3A_661 = tpu.iota {dimensions = array<i32: 1>} : vector<256x1024xi32>
    %eq3A_662 = vector.broadcast %broadcast_in_dim3A_660 : vector<256x1xf32> to vector<256x1024xf32>
    %eq3A_663 = arith.cmpf oeq, %sqrt3A_657, %eq3A_662 : vector<256x1024xf32>
    %jit3A_664 = arith.constant 1024 : i32
    %broadcast_in_dim3A_665 = vector.broadcast %jit3A_664 : i32 to vector<256x1024xi32>
    %select_n3A_666 = arith.select %eq3A_663, %iota3A_661, %broadcast_in_dim3A_665 : vector<256x1024xi1>, vector<256x1024xi32>
    %reduce_min3A_667 = arith.constant dense<2147483647> : vector<256xi32>
    %reduce_min3A_668 = vector.multi_reduction <minsi>, %select_n3A_666, %reduce_min3A_667 [1] : vector<256x1024xi32> to vector<256xi32>
    %broadcast_in_dim3A_669 = vector.shape_cast %reduce_min3A_668 : vector<256xi32> to vector<256x1xi32>
    %slice3A_670 = vector.extract_strided_slice %add3A_33 {offsets = [0, 768], sizes = [256, 64], strides = [1, 1]} : vector<256x1024xf32> to vector<256x64xf32>
    %dot_general3A_671 = arith.constant dense<0.000000e+00> : vector<256x1024xf32>
    %dot_general3A_672 = tpu.matmul %slice3A_670, %get3A_38, %dot_general3A_671 {dimension_numbers = #tpu.dot_dimension_numbers<[1], [1], [0], [0], [0, 0, 1, 0], [], []>, transpose_lhs_hint = false} : vector<256x64xf32>, vector<1024x64xf32>, vector<256x1024xf32> -> vector<256x1024xf32>
    %mul3A_673 = arith.mulf %slice3A_670, %slice3A_670 : vector<256x64xf32>
    %slice3A_674 = vector.extract_strided_slice %mul3A_673 {offsets = [0, 0], sizes = [256, 8], strides = [1, 1]} : vector<256x64xf32> to vector<256x8xf32>
    %slice3A_675 = vector.extract_strided_slice %mul3A_673 {offsets = [0, 8], sizes = [256, 8], strides = [1, 1]} : vector<256x64xf32> to vector<256x8xf32>
    %add3A_676 = arith.addf %slice3A_674, %slice3A_675 : vector<256x8xf32>
    %slice3A_677 = vector.extract_strided_slice %mul3A_673 {offsets = [0, 16], sizes = [256, 8], strides = [1, 1]} : vector<256x64xf32> to vector<256x8xf32>
    %add3A_678 = arith.addf %add3A_676, %slice3A_677 : vector<256x8xf32>
    %slice3A_679 = vector.extract_strided_slice %mul3A_673 {offsets = [0, 24], sizes = [256, 8], strides = [1, 1]} : vector<256x64xf32> to vector<256x8xf32>
    %add3A_680 = arith.addf %add3A_678, %slice3A_679 : vector<256x8xf32>
    %slice3A_681 = vector.extract_strided_slice %mul3A_673 {offsets = [0, 32], sizes = [256, 8], strides = [1, 1]} : vector<256x64xf32> to vector<256x8xf32>
    %add3A_682 = arith.addf %add3A_680, %slice3A_681 : vector<256x8xf32>
    %slice3A_683 = vector.extract_strided_slice %mul3A_673 {offsets = [0, 40], sizes = [256, 8], strides = [1, 1]} : vector<256x64xf32> to vector<256x8xf32>
    %add3A_684 = arith.addf %add3A_682, %slice3A_683 : vector<256x8xf32>
    %slice3A_685 = vector.extract_strided_slice %mul3A_673 {offsets = [0, 48], sizes = [256, 8], strides = [1, 1]} : vector<256x64xf32> to vector<256x8xf32>
    %add3A_686 = arith.addf %add3A_684, %slice3A_685 : vector<256x8xf32>
    %slice3A_687 = vector.extract_strided_slice %mul3A_673 {offsets = [0, 56], sizes = [256, 8], strides = [1, 1]} : vector<256x64xf32> to vector<256x8xf32>
    %add3A_688 = arith.addf %add3A_686, %slice3A_687 : vector<256x8xf32>
    %slice3A_689 = vector.extract_strided_slice %add3A_688 {offsets = [0, 0], sizes = [256, 4], strides = [1, 1]} : vector<256x8xf32> to vector<256x4xf32>
    %slice3A_690 = vector.extract_strided_slice %add3A_688 {offsets = [0, 4], sizes = [256, 4], strides = [1, 1]} : vector<256x8xf32> to vector<256x4xf32>
    %add3A_691 = arith.addf %slice3A_689, %slice3A_690 : vector<256x4xf32>
    %slice3A_692 = vector.extract_strided_slice %add3A_691 {offsets = [0, 0], sizes = [256, 2], strides = [1, 1]} : vector<256x4xf32> to vector<256x2xf32>
    %slice3A_693 = vector.extract_strided_slice %add3A_691 {offsets = [0, 2], sizes = [256, 2], strides = [1, 1]} : vector<256x4xf32> to vector<256x2xf32>
    %add3A_694 = arith.addf %slice3A_692, %slice3A_693 : vector<256x2xf32>
    %slice3A_695 = vector.extract_strided_slice %add3A_694 {offsets = [0, 0], sizes = [256, 1], strides = [1, 1]} : vector<256x2xf32> to vector<256x1xf32>
    %slice3A_696 = vector.extract_strided_slice %add3A_694 {offsets = [0, 1], sizes = [256, 1], strides = [1, 1]} : vector<256x2xf32> to vector<256x1xf32>
    %add3A_697 = arith.addf %slice3A_695, %slice3A_696 : vector<256x1xf32>
    %add3A_698 = vector.broadcast %add3A_697 : vector<256x1xf32> to vector<256x1024xf32>
    %add3A_699 = vector.broadcast %add3A_64 : vector<1x1024xf32> to vector<256x1024xf32>
    %add3A_700 = arith.addf %add3A_698, %add3A_699 : vector<256x1024xf32>
    %mul3A_701 = arith.constant 2.000000e+00 : f32
    %mul3A_702 = vector.broadcast %mul3A_701 : f32 to vector<256x1024xf32>
    %mul3A_703 = arith.mulf %mul3A_702, %dot_general3A_672 : vector<256x1024xf32>
    %sub3A_704 = arith.subf %add3A_700, %mul3A_703 : vector<256x1024xf32>
    %max3A_705 = arith.constant 0.000000e+00 : f32
    %max3A_706 = vector.broadcast %max3A_705 : f32 to vector<256x1024xf32>
    %max3A_707 = arith.maximumf %sub3A_704, %max3A_706 : vector<256x1024xf32>
    %sqrt3A_708 = math.sqrt %max3A_707 : vector<256x1024xf32>
    %reduce_min3A_709 = arith.constant dense<0x7F800000> : vector<256xf32>
    %reduce_min3A_710 = vector.multi_reduction <minimumf>, %sqrt3A_708, %reduce_min3A_709 [1] : vector<256x1024xf32> to vector<256xf32>
    %broadcast_in_dim3A_711 = vector.shape_cast %reduce_min3A_710 : vector<256xf32> to vector<256x1xf32>
    %iota3A_712 = tpu.iota {dimensions = array<i32: 1>} : vector<256x1024xi32>
    %eq3A_713 = vector.broadcast %broadcast_in_dim3A_711 : vector<256x1xf32> to vector<256x1024xf32>
    %eq3A_714 = arith.cmpf oeq, %sqrt3A_708, %eq3A_713 : vector<256x1024xf32>
    %jit3A_715 = arith.constant 1024 : i32
    %broadcast_in_dim3A_716 = vector.broadcast %jit3A_715 : i32 to vector<256x1024xi32>
    %select_n3A_717 = arith.select %eq3A_714, %iota3A_712, %broadcast_in_dim3A_716 : vector<256x1024xi1>, vector<256x1024xi32>
    %reduce_min3A_718 = arith.constant dense<2147483647> : vector<256xi32>
    %reduce_min3A_719 = vector.multi_reduction <minsi>, %select_n3A_717, %reduce_min3A_718 [1] : vector<256x1024xi32> to vector<256xi32>
    %broadcast_in_dim3A_720 = vector.shape_cast %reduce_min3A_719 : vector<256xi32> to vector<256x1xi32>
    %slice3A_721 = vector.extract_strided_slice %add3A_33 {offsets = [0, 832], sizes = [256, 64], strides = [1, 1]} : vector<256x1024xf32> to vector<256x64xf32>
    %dot_general3A_722 = arith.constant dense<0.000000e+00> : vector<256x1024xf32>
    %dot_general3A_723 = tpu.matmul %slice3A_721, %get3A_38, %dot_general3A_722 {dimension_numbers = #tpu.dot_dimension_numbers<[1], [1], [0], [0], [0, 0, 1, 0], [], []>, transpose_lhs_hint = false} : vector<256x64xf32>, vector<1024x64xf32>, vector<256x1024xf32> -> vector<256x1024xf32>
    %mul3A_724 = arith.mulf %slice3A_721, %slice3A_721 : vector<256x64xf32>
    %slice3A_725 = vector.extract_strided_slice %mul3A_724 {offsets = [0, 0], sizes = [256, 8], strides = [1, 1]} : vector<256x64xf32> to vector<256x8xf32>
    %slice3A_726 = vector.extract_strided_slice %mul3A_724 {offsets = [0, 8], sizes = [256, 8], strides = [1, 1]} : vector<256x64xf32> to vector<256x8xf32>
    %add3A_727 = arith.addf %slice3A_725, %slice3A_726 : vector<256x8xf32>
    %slice3A_728 = vector.extract_strided_slice %mul3A_724 {offsets = [0, 16], sizes = [256, 8], strides = [1, 1]} : vector<256x64xf32> to vector<256x8xf32>
    %add3A_729 = arith.addf %add3A_727, %slice3A_728 : vector<256x8xf32>
    %slice3A_730 = vector.extract_strided_slice %mul3A_724 {offsets = [0, 24], sizes = [256, 8], strides = [1, 1]} : vector<256x64xf32> to vector<256x8xf32>
    %add3A_731 = arith.addf %add3A_729, %slice3A_730 : vector<256x8xf32>
    %slice3A_732 = vector.extract_strided_slice %mul3A_724 {offsets = [0, 32], sizes = [256, 8], strides = [1, 1]} : vector<256x64xf32> to vector<256x8xf32>
    %add3A_733 = arith.addf %add3A_731, %slice3A_732 : vector<256x8xf32>
    %slice3A_734 = vector.extract_strided_slice %mul3A_724 {offsets = [0, 40], sizes = [256, 8], strides = [1, 1]} : vector<256x64xf32> to vector<256x8xf32>
    %add3A_735 = arith.addf %add3A_733, %slice3A_734 : vector<256x8xf32>
    %slice3A_736 = vector.extract_strided_slice %mul3A_724 {offsets = [0, 48], sizes = [256, 8], strides = [1, 1]} : vector<256x64xf32> to vector<256x8xf32>
    %add3A_737 = arith.addf %add3A_735, %slice3A_736 : vector<256x8xf32>
    %slice3A_738 = vector.extract_strided_slice %mul3A_724 {offsets = [0, 56], sizes = [256, 8], strides = [1, 1]} : vector<256x64xf32> to vector<256x8xf32>
    %add3A_739 = arith.addf %add3A_737, %slice3A_738 : vector<256x8xf32>
    %slice3A_740 = vector.extract_strided_slice %add3A_739 {offsets = [0, 0], sizes = [256, 4], strides = [1, 1]} : vector<256x8xf32> to vector<256x4xf32>
    %slice3A_741 = vector.extract_strided_slice %add3A_739 {offsets = [0, 4], sizes = [256, 4], strides = [1, 1]} : vector<256x8xf32> to vector<256x4xf32>
    %add3A_742 = arith.addf %slice3A_740, %slice3A_741 : vector<256x4xf32>
    %slice3A_743 = vector.extract_strided_slice %add3A_742 {offsets = [0, 0], sizes = [256, 2], strides = [1, 1]} : vector<256x4xf32> to vector<256x2xf32>
    %slice3A_744 = vector.extract_strided_slice %add3A_742 {offsets = [0, 2], sizes = [256, 2], strides = [1, 1]} : vector<256x4xf32> to vector<256x2xf32>
    %add3A_745 = arith.addf %slice3A_743, %slice3A_744 : vector<256x2xf32>
    %slice3A_746 = vector.extract_strided_slice %add3A_745 {offsets = [0, 0], sizes = [256, 1], strides = [1, 1]} : vector<256x2xf32> to vector<256x1xf32>
    %slice3A_747 = vector.extract_strided_slice %add3A_745 {offsets = [0, 1], sizes = [256, 1], strides = [1, 1]} : vector<256x2xf32> to vector<256x1xf32>
    %add3A_748 = arith.addf %slice3A_746, %slice3A_747 : vector<256x1xf32>
    %add3A_749 = vector.broadcast %add3A_748 : vector<256x1xf32> to vector<256x1024xf32>
    %add3A_750 = vector.broadcast %add3A_64 : vector<1x1024xf32> to vector<256x1024xf32>
    %add3A_751 = arith.addf %add3A_749, %add3A_750 : vector<256x1024xf32>
    %mul3A_752 = arith.constant 2.000000e+00 : f32
    %mul3A_753 = vector.broadcast %mul3A_752 : f32 to vector<256x1024xf32>
    %mul3A_754 = arith.mulf %mul3A_753, %dot_general3A_723 : vector<256x1024xf32>
    %sub3A_755 = arith.subf %add3A_751, %mul3A_754 : vector<256x1024xf32>
    %max3A_756 = arith.constant 0.000000e+00 : f32
    %max3A_757 = vector.broadcast %max3A_756 : f32 to vector<256x1024xf32>
    %max3A_758 = arith.maximumf %sub3A_755, %max3A_757 : vector<256x1024xf32>
    %sqrt3A_759 = math.sqrt %max3A_758 : vector<256x1024xf32>
    %reduce_min3A_760 = arith.constant dense<0x7F800000> : vector<256xf32>
    %reduce_min3A_761 = vector.multi_reduction <minimumf>, %sqrt3A_759, %reduce_min3A_760 [1] : vector<256x1024xf32> to vector<256xf32>
    %broadcast_in_dim3A_762 = vector.shape_cast %reduce_min3A_761 : vector<256xf32> to vector<256x1xf32>
    %iota3A_763 = tpu.iota {dimensions = array<i32: 1>} : vector<256x1024xi32>
    %eq3A_764 = vector.broadcast %broadcast_in_dim3A_762 : vector<256x1xf32> to vector<256x1024xf32>
    %eq3A_765 = arith.cmpf oeq, %sqrt3A_759, %eq3A_764 : vector<256x1024xf32>
    %jit3A_766 = arith.constant 1024 : i32
    %broadcast_in_dim3A_767 = vector.broadcast %jit3A_766 : i32 to vector<256x1024xi32>
    %select_n3A_768 = arith.select %eq3A_765, %iota3A_763, %broadcast_in_dim3A_767 : vector<256x1024xi1>, vector<256x1024xi32>
    %reduce_min3A_769 = arith.constant dense<2147483647> : vector<256xi32>
    %reduce_min3A_770 = vector.multi_reduction <minsi>, %select_n3A_768, %reduce_min3A_769 [1] : vector<256x1024xi32> to vector<256xi32>
    %broadcast_in_dim3A_771 = vector.shape_cast %reduce_min3A_770 : vector<256xi32> to vector<256x1xi32>
    %slice3A_772 = vector.extract_strided_slice %add3A_33 {offsets = [0, 896], sizes = [256, 64], strides = [1, 1]} : vector<256x1024xf32> to vector<256x64xf32>
    %dot_general3A_773 = arith.constant dense<0.000000e+00> : vector<256x1024xf32>
    %dot_general3A_774 = tpu.matmul %slice3A_772, %get3A_38, %dot_general3A_773 {dimension_numbers = #tpu.dot_dimension_numbers<[1], [1], [0], [0], [0, 0, 1, 0], [], []>, transpose_lhs_hint = false} : vector<256x64xf32>, vector<1024x64xf32>, vector<256x1024xf32> -> vector<256x1024xf32>
    %mul3A_775 = arith.mulf %slice3A_772, %slice3A_772 : vector<256x64xf32>
    %slice3A_776 = vector.extract_strided_slice %mul3A_775 {offsets = [0, 0], sizes = [256, 8], strides = [1, 1]} : vector<256x64xf32> to vector<256x8xf32>
    %slice3A_777 = vector.extract_strided_slice %mul3A_775 {offsets = [0, 8], sizes = [256, 8], strides = [1, 1]} : vector<256x64xf32> to vector<256x8xf32>
    %add3A_778 = arith.addf %slice3A_776, %slice3A_777 : vector<256x8xf32>
    %slice3A_779 = vector.extract_strided_slice %mul3A_775 {offsets = [0, 16], sizes = [256, 8], strides = [1, 1]} : vector<256x64xf32> to vector<256x8xf32>
    %add3A_780 = arith.addf %add3A_778, %slice3A_779 : vector<256x8xf32>
    %slice3A_781 = vector.extract_strided_slice %mul3A_775 {offsets = [0, 24], sizes = [256, 8], strides = [1, 1]} : vector<256x64xf32> to vector<256x8xf32>
    %add3A_782 = arith.addf %add3A_780, %slice3A_781 : vector<256x8xf32>
    %slice3A_783 = vector.extract_strided_slice %mul3A_775 {offsets = [0, 32], sizes = [256, 8], strides = [1, 1]} : vector<256x64xf32> to vector<256x8xf32>
    %add3A_784 = arith.addf %add3A_782, %slice3A_783 : vector<256x8xf32>
    %slice3A_785 = vector.extract_strided_slice %mul3A_775 {offsets = [0, 40], sizes = [256, 8], strides = [1, 1]} : vector<256x64xf32> to vector<256x8xf32>
    %add3A_786 = arith.addf %add3A_784, %slice3A_785 : vector<256x8xf32>
    %slice3A_787 = vector.extract_strided_slice %mul3A_775 {offsets = [0, 48], sizes = [256, 8], strides = [1, 1]} : vector<256x64xf32> to vector<256x8xf32>
    %add3A_788 = arith.addf %add3A_786, %slice3A_787 : vector<256x8xf32>
    %slice3A_789 = vector.extract_strided_slice %mul3A_775 {offsets = [0, 56], sizes = [256, 8], strides = [1, 1]} : vector<256x64xf32> to vector<256x8xf32>
    %add3A_790 = arith.addf %add3A_788, %slice3A_789 : vector<256x8xf32>
    %slice3A_791 = vector.extract_strided_slice %add3A_790 {offsets = [0, 0], sizes = [256, 4], strides = [1, 1]} : vector<256x8xf32> to vector<256x4xf32>
    %slice3A_792 = vector.extract_strided_slice %add3A_790 {offsets = [0, 4], sizes = [256, 4], strides = [1, 1]} : vector<256x8xf32> to vector<256x4xf32>
    %add3A_793 = arith.addf %slice3A_791, %slice3A_792 : vector<256x4xf32>
    %slice3A_794 = vector.extract_strided_slice %add3A_793 {offsets = [0, 0], sizes = [256, 2], strides = [1, 1]} : vector<256x4xf32> to vector<256x2xf32>
    %slice3A_795 = vector.extract_strided_slice %add3A_793 {offsets = [0, 2], sizes = [256, 2], strides = [1, 1]} : vector<256x4xf32> to vector<256x2xf32>
    %add3A_796 = arith.addf %slice3A_794, %slice3A_795 : vector<256x2xf32>
    %slice3A_797 = vector.extract_strided_slice %add3A_796 {offsets = [0, 0], sizes = [256, 1], strides = [1, 1]} : vector<256x2xf32> to vector<256x1xf32>
    %slice3A_798 = vector.extract_strided_slice %add3A_796 {offsets = [0, 1], sizes = [256, 1], strides = [1, 1]} : vector<256x2xf32> to vector<256x1xf32>
    %add3A_799 = arith.addf %slice3A_797, %slice3A_798 : vector<256x1xf32>
    %add3A_800 = vector.broadcast %add3A_799 : vector<256x1xf32> to vector<256x1024xf32>
    %add3A_801 = vector.broadcast %add3A_64 : vector<1x1024xf32> to vector<256x1024xf32>
    %add3A_802 = arith.addf %add3A_800, %add3A_801 : vector<256x1024xf32>
    %mul3A_803 = arith.constant 2.000000e+00 : f32
    %mul3A_804 = vector.broadcast %mul3A_803 : f32 to vector<256x1024xf32>
    %mul3A_805 = arith.mulf %mul3A_804, %dot_general3A_774 : vector<256x1024xf32>
    %sub3A_806 = arith.subf %add3A_802, %mul3A_805 : vector<256x1024xf32>
    %max3A_807 = arith.constant 0.000000e+00 : f32
    %max3A_808 = vector.broadcast %max3A_807 : f32 to vector<256x1024xf32>
    %max3A_809 = arith.maximumf %sub3A_806, %max3A_808 : vector<256x1024xf32>
    %sqrt3A_810 = math.sqrt %max3A_809 : vector<256x1024xf32>
    %reduce_min3A_811 = arith.constant dense<0x7F800000> : vector<256xf32>
    %reduce_min3A_812 = vector.multi_reduction <minimumf>, %sqrt3A_810, %reduce_min3A_811 [1] : vector<256x1024xf32> to vector<256xf32>
    %broadcast_in_dim3A_813 = vector.shape_cast %reduce_min3A_812 : vector<256xf32> to vector<256x1xf32>
    %iota3A_814 = tpu.iota {dimensions = array<i32: 1>} : vector<256x1024xi32>
    %eq3A_815 = vector.broadcast %broadcast_in_dim3A_813 : vector<256x1xf32> to vector<256x1024xf32>
    %eq3A_816 = arith.cmpf oeq, %sqrt3A_810, %eq3A_815 : vector<256x1024xf32>
    %jit3A_817 = arith.constant 1024 : i32
    %broadcast_in_dim3A_818 = vector.broadcast %jit3A_817 : i32 to vector<256x1024xi32>
    %select_n3A_819 = arith.select %eq3A_816, %iota3A_814, %broadcast_in_dim3A_818 : vector<256x1024xi1>, vector<256x1024xi32>
    %reduce_min3A_820 = arith.constant dense<2147483647> : vector<256xi32>
    %reduce_min3A_821 = vector.multi_reduction <minsi>, %select_n3A_819, %reduce_min3A_820 [1] : vector<256x1024xi32> to vector<256xi32>
    %broadcast_in_dim3A_822 = vector.shape_cast %reduce_min3A_821 : vector<256xi32> to vector<256x1xi32>
    %slice3A_823 = vector.extract_strided_slice %add3A_33 {offsets = [0, 960], sizes = [256, 64], strides = [1, 1]} : vector<256x1024xf32> to vector<256x64xf32>
    %dot_general3A_824 = arith.constant dense<0.000000e+00> : vector<256x1024xf32>
    %dot_general3A_825 = tpu.matmul %slice3A_823, %get3A_38, %dot_general3A_824 {dimension_numbers = #tpu.dot_dimension_numbers<[1], [1], [0], [0], [0, 0, 1, 0], [], []>, transpose_lhs_hint = false} : vector<256x64xf32>, vector<1024x64xf32>, vector<256x1024xf32> -> vector<256x1024xf32>
    %mul3A_826 = arith.mulf %slice3A_823, %slice3A_823 : vector<256x64xf32>
    %slice3A_827 = vector.extract_strided_slice %mul3A_826 {offsets = [0, 0], sizes = [256, 8], strides = [1, 1]} : vector<256x64xf32> to vector<256x8xf32>
    %slice3A_828 = vector.extract_strided_slice %mul3A_826 {offsets = [0, 8], sizes = [256, 8], strides = [1, 1]} : vector<256x64xf32> to vector<256x8xf32>
    %add3A_829 = arith.addf %slice3A_827, %slice3A_828 : vector<256x8xf32>
    %slice3A_830 = vector.extract_strided_slice %mul3A_826 {offsets = [0, 16], sizes = [256, 8], strides = [1, 1]} : vector<256x64xf32> to vector<256x8xf32>
    %add3A_831 = arith.addf %add3A_829, %slice3A_830 : vector<256x8xf32>
    %slice3A_832 = vector.extract_strided_slice %mul3A_826 {offsets = [0, 24], sizes = [256, 8], strides = [1, 1]} : vector<256x64xf32> to vector<256x8xf32>
    %add3A_833 = arith.addf %add3A_831, %slice3A_832 : vector<256x8xf32>
    %slice3A_834 = vector.extract_strided_slice %mul3A_826 {offsets = [0, 32], sizes = [256, 8], strides = [1, 1]} : vector<256x64xf32> to vector<256x8xf32>
    %add3A_835 = arith.addf %add3A_833, %slice3A_834 : vector<256x8xf32>
    %slice3A_836 = vector.extract_strided_slice %mul3A_826 {offsets = [0, 40], sizes = [256, 8], strides = [1, 1]} : vector<256x64xf32> to vector<256x8xf32>
    %add3A_837 = arith.addf %add3A_835, %slice3A_836 : vector<256x8xf32>
    %slice3A_838 = vector.extract_strided_slice %mul3A_826 {offsets = [0, 48], sizes = [256, 8], strides = [1, 1]} : vector<256x64xf32> to vector<256x8xf32>
    %add3A_839 = arith.addf %add3A_837, %slice3A_838 : vector<256x8xf32>
    %slice3A_840 = vector.extract_strided_slice %mul3A_826 {offsets = [0, 56], sizes = [256, 8], strides = [1, 1]} : vector<256x64xf32> to vector<256x8xf32>
    %add3A_841 = arith.addf %add3A_839, %slice3A_840 : vector<256x8xf32>
    %slice3A_842 = vector.extract_strided_slice %add3A_841 {offsets = [0, 0], sizes = [256, 4], strides = [1, 1]} : vector<256x8xf32> to vector<256x4xf32>
    %slice3A_843 = vector.extract_strided_slice %add3A_841 {offsets = [0, 4], sizes = [256, 4], strides = [1, 1]} : vector<256x8xf32> to vector<256x4xf32>
    %add3A_844 = arith.addf %slice3A_842, %slice3A_843 : vector<256x4xf32>
    %slice3A_845 = vector.extract_strided_slice %add3A_844 {offsets = [0, 0], sizes = [256, 2], strides = [1, 1]} : vector<256x4xf32> to vector<256x2xf32>
    %slice3A_846 = vector.extract_strided_slice %add3A_844 {offsets = [0, 2], sizes = [256, 2], strides = [1, 1]} : vector<256x4xf32> to vector<256x2xf32>
    %add3A_847 = arith.addf %slice3A_845, %slice3A_846 : vector<256x2xf32>
    %slice3A_848 = vector.extract_strided_slice %add3A_847 {offsets = [0, 0], sizes = [256, 1], strides = [1, 1]} : vector<256x2xf32> to vector<256x1xf32>
    %slice3A_849 = vector.extract_strided_slice %add3A_847 {offsets = [0, 1], sizes = [256, 1], strides = [1, 1]} : vector<256x2xf32> to vector<256x1xf32>
    %add3A_850 = arith.addf %slice3A_848, %slice3A_849 : vector<256x1xf32>
    %add3A_851 = vector.broadcast %add3A_850 : vector<256x1xf32> to vector<256x1024xf32>
    %add3A_852 = vector.broadcast %add3A_64 : vector<1x1024xf32> to vector<256x1024xf32>
    %add3A_853 = arith.addf %add3A_851, %add3A_852 : vector<256x1024xf32>
    %mul3A_854 = arith.constant 2.000000e+00 : f32
    %mul3A_855 = vector.broadcast %mul3A_854 : f32 to vector<256x1024xf32>
    %mul3A_856 = arith.mulf %mul3A_855, %dot_general3A_825 : vector<256x1024xf32>
    %sub3A_857 = arith.subf %add3A_853, %mul3A_856 : vector<256x1024xf32>
    %max3A_858 = arith.constant 0.000000e+00 : f32
    %max3A_859 = vector.broadcast %max3A_858 : f32 to vector<256x1024xf32>
    %max3A_860 = arith.maximumf %sub3A_857, %max3A_859 : vector<256x1024xf32>
    %sqrt3A_861 = math.sqrt %max3A_860 : vector<256x1024xf32>
    %reduce_min3A_862 = arith.constant dense<0x7F800000> : vector<256xf32>
    %reduce_min3A_863 = vector.multi_reduction <minimumf>, %sqrt3A_861, %reduce_min3A_862 [1] : vector<256x1024xf32> to vector<256xf32>
    %broadcast_in_dim3A_864 = vector.shape_cast %reduce_min3A_863 : vector<256xf32> to vector<256x1xf32>
    %iota3A_865 = tpu.iota {dimensions = array<i32: 1>} : vector<256x1024xi32>
    %eq3A_866 = vector.broadcast %broadcast_in_dim3A_864 : vector<256x1xf32> to vector<256x1024xf32>
    %eq3A_867 = arith.cmpf oeq, %sqrt3A_861, %eq3A_866 : vector<256x1024xf32>
    %jit3A_868 = arith.constant 1024 : i32
    %broadcast_in_dim3A_869 = vector.broadcast %jit3A_868 : i32 to vector<256x1024xi32>
    %select_n3A_870 = arith.select %eq3A_867, %iota3A_865, %broadcast_in_dim3A_869 : vector<256x1024xi1>, vector<256x1024xi32>
    %reduce_min3A_871 = arith.constant dense<2147483647> : vector<256xi32>
    %reduce_min3A_872 = vector.multi_reduction <minsi>, %select_n3A_870, %reduce_min3A_871 [1] : vector<256x1024xi32> to vector<256xi32>
    %broadcast_in_dim3A_873 = vector.shape_cast %reduce_min3A_872 : vector<256xi32> to vector<256x1xi32>
    %concatenate3A = tpu.concatenate %broadcast_in_dim3A_108, %broadcast_in_dim3A_159, %broadcast_in_dim3A_210, %broadcast_in_dim3A_261, %broadcast_in_dim3A_312, %broadcast_in_dim3A_363, %broadcast_in_dim3A_414, %broadcast_in_dim3A_465, %broadcast_in_dim3A_516, %broadcast_in_dim3A_567, %broadcast_in_dim3A_618, %broadcast_in_dim3A_669, %broadcast_in_dim3A_720, %broadcast_in_dim3A_771, %broadcast_in_dim3A_822, %broadcast_in_dim3A_873 in 1 : vector<256x1xi32>, vector<256x1xi32>, vector<256x1xi32>, vector<256x1xi32>, vector<256x1xi32>, vector<256x1xi32>, vector<256x1xi32>, vector<256x1xi32>, vector<256x1xi32>, vector<256x1xi32>, vector<256x1xi32>, vector<256x1xi32>, vector<256x1xi32>, vector<256x1xi32>, vector<256x1xi32>, vector<256x1xi32> -> vector<256x16xi32>
    %swap3A_874 = arith.constant 0 : index
    %swap3A_875 = arith.constant 0 : index
    %swap3A_876 = vector.load %arg11[%swap3A_874, %swap3A_875] : memref<256x16xi32, #tpu.memory_space<vmem>>, vector<256x16xi32>
    tpu.vector_store %arg11[%swap3A_874, %swap3A_875], %concatenate3A {strides = array<i32>} : memref<256x16xi32, #tpu.memory_space<vmem>>, vector<256x16xi32>,
    return
  }
  func.func @transform_0(%arg0: i32) -> (i32, i32) {
    %c0_i32 = arith.constant 0 : i32
    %c0_i32_0 = arith.constant 0 : i32
    return %arg0, %c0_i32 : i32, i32
  }
  func.func @transform_1(%arg0: i32) -> (i32, i32) {
    %c0_i32 = arith.constant 0 : i32
    %c0_i32_0 = arith.constant 0 : i32
    %c0_i32_1 = arith.constant 0 : i32
    return %c0_i32, %c0_i32_0 : i32, i32
  }
  func.func @transform_2(%arg0: i32) -> i32 {
    %c0_i32 = arith.constant 0 : i32
    %c0_i32_0 = arith.constant 0 : i32
    return %c0_i32 : i32
  }
  func.func @transform_3(%arg0: i32) -> (i32, i32) {
    %c0_i32 = arith.constant 0 : i32
    %c0_i32_0 = arith.constant 0 : i32
    %c0_i32_1 = arith.constant 0 : i32
    return %c0_i32, %c0_i32_0 : i32, i32
  }
  func.func @transform_4(%arg0: i32) -> i32 {
    %c0_i32 = arith.constant 0 : i32
    %c0_i32_0 = arith.constant 0 : i32
    return %c0_i32 : i32
  }
  func.func @transform_5(%arg0: i32) -> (i32, i32) {
    %c0_i32 = arith.constant 0 : i32
    %c0_i32_0 = arith.constant 0 : i32
    %c0_i32_1 = arith.constant 0 : i32
    return %c0_i32, %c0_i32_0 : i32, i32
  }
  func.func @transform_6(%arg0: i32) -> i32 {
    %c0_i32 = arith.constant 0 : i32
    %c0_i32_0 = arith.constant 0 : i32
    return %c0_i32 : i32
  }
  func.func @transform_7(%arg0: i32) -> (i32, i32) {
    %c0_i32 = arith.constant 0 : i32
    %c0_i32_0 = arith.constant 0 : i32
    %c0_i32_1 = arith.constant 0 : i32
    return %c0_i32, %c0_i32_0 : i32, i32
  }
  func.func @transform_8(%arg0: i32) -> (i32, i32) {
    %c0_i32 = arith.constant 0 : i32
    %c0_i32_0 = arith.constant 0 : i32
    %c0_i32_1 = arith.constant 0 : i32
    return %c0_i32, %c0_i32_0 : i32, i32
  }
  func.func @transform_9(%arg0: i32) -> (i32, i32) {
    %c0_i32 = arith.constant 0 : i32
    %c0_i32_0 = arith.constant 0 : i32
    return %arg0, %c0_i32 : i32, i32
  }
  func.func @transform_10(%arg0: i32) -> (i32, i32) {
    %c0_i32 = arith.constant 0 : i32
    %c0_i32_0 = arith.constant 0 : i32
    return %arg0, %c0_i32 : i32, i32
  }
}

module attributes {stable_mosaic.version = 14 : i64} {
  func.func @_dec_body(%arg0: i32, %arg1: memref<256x1024xf32, #tpu.memory_space<vmem>>, %arg2: memref<256x1024xf32, #tpu.memory_space<vmem>>, %arg3: memref<2048x1024xf32, #tpu.memory_space<vmem>>, %arg4: memref<2048xf32, #tpu.memory_space<vmem>>, %arg5: memref<2048x2048xf32, #tpu.memory_space<vmem>>, %arg6: memref<2048xf32, #tpu.memory_space<vmem>>, %arg7: memref<1024x2048xf32, #tpu.memory_space<vmem>>, %arg8: memref<1024xf32, #tpu.memory_space<vmem>>, %arg9: memref<256x1024xf32, #tpu.memory_space<vmem>>, %arg10: memref<256x1024xf32, #tpu.memory_space<vmem>>) attributes {dimension_semantics = [#tpu.dimension_semantics<arbitrary>], iteration_bounds = array<i64: 4>, scalar_prefetch = 0 : i64, scratch_operands = 0 : i64, tpu.core_type = #tpu.core_type<tc>, window_params = [{transform_indices = @transform_0, window_bounds = array<i64: 256, 1024>}, {transform_indices = @transform_1, window_bounds = array<i64: 256, 1024>}, {pipeline_mode = #tpu.pipeline_mode<synchronous>, transform_indices = @transform_2, window_bounds = array<i64: 2048, 1024>}, {pipeline_mode = #tpu.pipeline_mode<synchronous>, transform_indices = @transform_3, window_bounds = array<i64: 2048>}, {pipeline_mode = #tpu.pipeline_mode<synchronous>, transform_indices = @transform_4, window_bounds = array<i64: 2048, 2048>}, {pipeline_mode = #tpu.pipeline_mode<synchronous>, transform_indices = @transform_5, window_bounds = array<i64: 2048>}, {pipeline_mode = #tpu.pipeline_mode<synchronous>, transform_indices = @transform_6, window_bounds = array<i64: 1024, 2048>}, {pipeline_mode = #tpu.pipeline_mode<synchronous>, transform_indices = @transform_7, window_bounds = array<i64: 1024>}, {transform_indices = @transform_8, window_bounds = array<i64: 256, 1024>}, {transform_indices = @transform_9, window_bounds = array<i64: 256, 1024>}]} {
    %get3A = arith.constant 0 : index
    %get3A_0 = arith.constant 0 : index
    %get3A_1 = vector.load %arg1[%get3A, %get3A_0] : memref<256x1024xf32, #tpu.memory_space<vmem>>, vector<256x1024xf32>
    %get3A_2 = arith.constant 0 : index
    %get3A_3 = arith.constant 0 : index
    %get3A_4 = vector.load %arg2[%get3A_2, %get3A_3] : memref<256x1024xf32, #tpu.memory_space<vmem>>, vector<256x1024xf32>
    %sub3A = arith.subf %get3A_4, %get3A_1 : vector<256x1024xf32>
    %add3A = arith.addf %get3A_1, %sub3A : vector<256x1024xf32>
    %swap3A = arith.constant 0 : index
    %swap3A_5 = arith.constant 0 : index
    %swap3A_6 = vector.load %arg9[%swap3A, %swap3A_5] : memref<256x1024xf32, #tpu.memory_space<vmem>>, vector<256x1024xf32>
    tpu.vector_store %arg9[%swap3A, %swap3A_5], %add3A {strides = array<i32>} : memref<256x1024xf32, #tpu.memory_space<vmem>>, vector<256x1024xf32>,
    %get3A_7 = arith.constant 0 : index
    %get3A_8 = arith.constant 0 : index
    %get3A_9 = vector.load %arg3[%get3A_7, %get3A_8] : memref<2048x1024xf32, #tpu.memory_space<vmem>>, vector<2048x1024xf32>
    %dot_general3A = arith.constant dense<0.000000e+00> : vector<256x2048xf32>
    %dot_general3A_10 = tpu.matmul %add3A, %get3A_9, %dot_general3A {dimension_numbers = #tpu.dot_dimension_numbers<[1], [1], [0], [0], [0, 0, 1, 0], [], []>, transpose_lhs_hint = false} : vector<256x1024xf32>, vector<2048x1024xf32>, vector<256x2048xf32> -> vector<256x2048xf32>
    %get3A_11 = arith.constant 0 : index
    %get3A_12 = vector.load %arg4[%get3A_11] : memref<2048xf32, #tpu.memory_space<vmem>>, vector<2048xf32>
    %broadcast_in_dim3A = vector.shape_cast %get3A_12 : vector<2048xf32> to vector<1x2048xf32>
    %add3A_13 = vector.broadcast %broadcast_in_dim3A : vector<1x2048xf32> to vector<256x2048xf32>
    %add3A_14 = arith.addf %dot_general3A_10, %add3A_13 : vector<256x2048xf32>
    %max3A = arith.constant 0.000000e+00 : f32
    %max3A_15 = vector.broadcast %max3A : f32 to vector<256x2048xf32>
    %max3A_16 = arith.maximumf %add3A_14, %max3A_15 : vector<256x2048xf32>
    %get3A_17 = arith.constant 0 : index
    %get3A_18 = arith.constant 0 : index
    %get3A_19 = vector.load %arg5[%get3A_17, %get3A_18] : memref<2048x2048xf32, #tpu.memory_space<vmem>>, vector<2048x2048xf32>
    %dot_general3A_20 = arith.constant dense<0.000000e+00> : vector<256x2048xf32>
    %dot_general3A_21 = tpu.matmul %max3A_16, %get3A_19, %dot_general3A_20 {dimension_numbers = #tpu.dot_dimension_numbers<[1], [1], [0], [0], [0, 0, 1, 0], [], []>, transpose_lhs_hint = false} : vector<256x2048xf32>, vector<2048x2048xf32>, vector<256x2048xf32> -> vector<256x2048xf32>
    %get3A_22 = arith.constant 0 : index
    %get3A_23 = vector.load %arg6[%get3A_22] : memref<2048xf32, #tpu.memory_space<vmem>>, vector<2048xf32>
    %broadcast_in_dim3A_24 = vector.shape_cast %get3A_23 : vector<2048xf32> to vector<1x2048xf32>
    %add3A_25 = vector.broadcast %broadcast_in_dim3A_24 : vector<1x2048xf32> to vector<256x2048xf32>
    %add3A_26 = arith.addf %dot_general3A_21, %add3A_25 : vector<256x2048xf32>
    %max3A_27 = arith.constant 0.000000e+00 : f32
    %max3A_28 = vector.broadcast %max3A_27 : f32 to vector<256x2048xf32>
    %max3A_29 = arith.maximumf %add3A_26, %max3A_28 : vector<256x2048xf32>
    %get3A_30 = arith.constant 0 : index
    %get3A_31 = arith.constant 0 : index
    %get3A_32 = vector.load %arg7[%get3A_30, %get3A_31] : memref<1024x2048xf32, #tpu.memory_space<vmem>>, vector<1024x2048xf32>
    %dot_general3A_33 = arith.constant dense<0.000000e+00> : vector<256x1024xf32>
    %dot_general3A_34 = tpu.matmul %max3A_29, %get3A_32, %dot_general3A_33 {dimension_numbers = #tpu.dot_dimension_numbers<[1], [1], [0], [0], [0, 0, 1, 0], [], []>, transpose_lhs_hint = false} : vector<256x2048xf32>, vector<1024x2048xf32>, vector<256x1024xf32> -> vector<256x1024xf32>
    %get3A_35 = arith.constant 0 : index
    %get3A_36 = vector.load %arg8[%get3A_35] : memref<1024xf32, #tpu.memory_space<vmem>>, vector<1024xf32>
    %broadcast_in_dim3A_37 = vector.shape_cast %get3A_36 : vector<1024xf32> to vector<1x1024xf32>
    %add3A_38 = vector.broadcast %broadcast_in_dim3A_37 : vector<1x1024xf32> to vector<256x1024xf32>
    %add3A_39 = arith.addf %dot_general3A_34, %add3A_38 : vector<256x1024xf32>
    %swap3A_40 = arith.constant 0 : index
    %swap3A_41 = arith.constant 0 : index
    %swap3A_42 = vector.load %arg10[%swap3A_40, %swap3A_41] : memref<256x1024xf32, #tpu.memory_space<vmem>>, vector<256x1024xf32>
    tpu.vector_store %arg10[%swap3A_40, %swap3A_41], %add3A_39 {strides = array<i32>} : memref<256x1024xf32, #tpu.memory_space<vmem>>, vector<256x1024xf32>,
    return
  }
  func.func @transform_0(%arg0: i32) -> (i32, i32) {
    %c0_i32 = arith.constant 0 : i32
    %c0_i32_0 = arith.constant 0 : i32
    return %arg0, %c0_i32 : i32, i32
  }
  func.func @transform_1(%arg0: i32) -> (i32, i32) {
    %c0_i32 = arith.constant 0 : i32
    %c0_i32_0 = arith.constant 0 : i32
    return %arg0, %c0_i32 : i32, i32
  }
  func.func @transform_2(%arg0: i32) -> (i32, i32) {
    %c0_i32 = arith.constant 0 : i32
    %c0_i32_0 = arith.constant 0 : i32
    %c0_i32_1 = arith.constant 0 : i32
    return %c0_i32, %c0_i32_0 : i32, i32
  }
  func.func @transform_3(%arg0: i32) -> i32 {
    %c0_i32 = arith.constant 0 : i32
    %c0_i32_0 = arith.constant 0 : i32
    return %c0_i32 : i32
  }
  func.func @transform_4(%arg0: i32) -> (i32, i32) {
    %c0_i32 = arith.constant 0 : i32
    %c0_i32_0 = arith.constant 0 : i32
    %c0_i32_1 = arith.constant 0 : i32
    return %c0_i32, %c0_i32_0 : i32, i32
  }
  func.func @transform_5(%arg0: i32) -> i32 {
    %c0_i32 = arith.constant 0 : i32
    %c0_i32_0 = arith.constant 0 : i32
    return %c0_i32 : i32
  }
  func.func @transform_6(%arg0: i32) -> (i32, i32) {
    %c0_i32 = arith.constant 0 : i32
    %c0_i32_0 = arith.constant 0 : i32
    %c0_i32_1 = arith.constant 0 : i32
    return %c0_i32, %c0_i32_0 : i32, i32
  }
  func.func @transform_7(%arg0: i32) -> i32 {
    %c0_i32 = arith.constant 0 : i32
    %c0_i32_0 = arith.constant 0 : i32
    return %c0_i32 : i32
  }
  func.func @transform_8(%arg0: i32) -> (i32, i32) {
    %c0_i32 = arith.constant 0 : i32
    %c0_i32_0 = arith.constant 0 : i32
    return %arg0, %c0_i32 : i32, i32
  }
  func.func @transform_9(%arg0: i32) -> (i32, i32) {
    %c0_i32 = arith.constant 0 : i32
    %c0_i32_0 = arith.constant 0 : i32
    return %arg0, %c0_i32 : i32, i32
  }
}

</mosaic_0001>

<sc_bundles>
// kernel: kernel.5.cloned.1.call-start
scs
__scs_entry_jumppad:
0x0: {  	(pc) =	sbr.rel $0x88, $3  }
0x1: {  	(tag) =	ssettag $0x0;
	lr =	simm.s32 $0x1  }
0x2: {  	[smem:$0x3F93] =	sst lr;
	_ =	strace $0xD0000000  }
0x3: {  	_ = 	snop  }
0x4: {  	_ = 	snop  }
0x5: {  	_ = 	snop  }
0x6: {  	_ = 	snop  }
0x7: {  	_ = 	snop  }
__scs_overlays_trampoline_lowered:
0x8: {  	[smem:$0x3FA2] =	sst s0  }
0x9: {  	[smem:$0x3FA3] =	sst s1  }
0xa: {  	[smem:$0x3FA4] =	sst s2  }
0xb: {  	[smem:$0x3FA5] =	sst s3  }
0xc: {  	[smem:$0x3FA6] =	sst s4  }
0xd: {  	[smem:$0x3FA7] =	sst s5  }
0xe: {  	[smem:$0x3FA8] =	sst s6  }
0xf: {  	[smem:$0x3FA9] =	sst s7  }
0x10: {  	[smem:$0x3FAA] =	sst s8  }
0x11: {  	[smem:$0x3FAB] =	sst s9;
	s0 =	simm.s32 @!p0 $0x0  }
0x12: {  	s1 =	sld [smem:$0x3F91];
	s0 =	simm.s32 @p0 $0x1  }
0x13: {  	[smem:$0x3FAC] =	sst s0;
	s0 =	simm.s32 @!p1 $0x0  }
0x14: {  	s2 =	sld [smem:$0x3F90];
	s0 =	simm.s32 @p1 $0x1  }
0x15: {  	[smem:$0x3FAD] =	sst s0;
	s0 =	simm.s32 @!p2 $0x0  }
0x16: {  	s3 =	sld [smem:$0x3FDB];
	s0 =	simm.s32 @p2 $0x1  }
0x17: {  	s4 =	simm.s32 $0x1BF5;
	[smem:$0x3FAF] =	sst s0  }
0x18: {  	s0 =	sld [smem:$0x3F92];
	_ =	swait.ge [sflag:s4], $0x0  }
0x19: {  	s7 =	sld [smem:$0x3F93]  }
0x1a: {  	s8 =	sadd.s32 $0xFFFFE003, lr  }
0x1b: {  	s9 =	sadd.s32 $0xFFFFFEF7, lr;
	s5 =	simm.s32 $0xFFFFFFFF;
	p2 =	slt.u32 s8, $0xFFFFF086  }
0x1c: {  	p1 =	slt.u32 s9, $0xF7A;
	s5 =	simm.s32 @!p2 $0x0  }
0x1d: {  	s5 =	simm.s32 @p1 $0x1;
	p0 =	seq.s32 s7, s2  }
0x1e: {  	s7 =	smul.u32 @!p0 $0xF7A, s2;
	p2 =	seq.s32 @!p0 s5, $0x0  }
0x1f: {  	s9 =	smul.u32 $0xF7A, s1;
	s8 =	simm.s32 @!p0 $0x1BF5;
	p2 =	por !p2, p0  }
0x20: {  	[sflag:s8] =	ssyncset.s32 @!p0 $0xFFFFF086;
	s6 =	sadd.s32 @!p0 s3, s7;
	s7 =	simm.s32 @!p0 $0x108  }
0x21: {  	s3 =	sadd.s32 s3, s9;
	s6 =	sadd.s32 @!p0 $0x88, s6;
	s7 =	simm.s32 @p2 $0x1082  }
0x22: {  	[simem:s7], [sflag:s8] =	dma.local @!p0 [hbm:s6], $0xF7A  }
0x23: {  	s9 =	sor.u32 $0xD0000000, s2;
	s6 =	simm.s32 $0x108;
	_ =	swait.ge @!p0 [sflag:s8], $0x0  }
0x24: {  	s3 =	sadd.s32 $0x88, s3;
	s6 =	simm.s32 @!p1 $0x1082;
	[sflag:s4] =	ssyncset.s32 $0xFFFFF086  }
0x25: {  	[simem:s6], [sflag:s4] =	dma.local [hbm:s3], $0xF7A  }
0x26: {  	[smem:$0x3F93] =	sst s1;
	(tag) =	ssettag s2;
	_ =	strace s9  }
0x27: {  	s1 =	sld [smem:$0x3FA3]  }
0x28: {  	s2 =	sld [smem:$0x3FA4]  }
0x29: {  	s4 =	sld [smem:$0x3FA6]  }
0x2a: {  	p0 =	seq.s32 s5, $0x0;
	s5 =	sld [smem:$0x3FA7]  }
0x2b: {  	s6 =	sld [smem:$0x3FA8]  }
0x2c: {  	s7 =	sld [smem:$0x3FA9]  }
0x2d: {  	s3 =	simm.s32 $0x108;
	s8 =	sld [smem:$0x3FAA]  }
0x2e: {  	s3 =	simm.s32 @!p0 $0x1082;
	s9 =	sld [smem:$0x3FAB]  }
0x2f: {  	lr =	sadd.s32 s0, s3;
	s0 =	sld [smem:$0x3FA2]  }
0x30: {  	s3 =	sld [smem:$0x3FA5]  }
0x31: {  	[smem:$0x3FAE] =	sst s10  }
0x32: {  	s10 =	sld [smem:$0x3FAC];
	_ =	sdelay $0x3  }
0x33: {  	p0 =	seq.s32 s10, $0x1;
	s10 =	sld [smem:$0x3FAE];
	_ =	sdelay $0x3  }
0x34: {  	[smem:$0x3FAE] =	sst s10  }
0x35: {  	s10 =	sld [smem:$0x3FAD];
	_ =	sdelay $0x3  }
0x36: {  	p1 =	seq.s32 s10, $0x1;
	s10 =	sld [smem:$0x3FAE];
	_ =	sdelay $0x3  }
0x37: {  	[smem:$0x3FAE] =	sst s10  }
0x38: {  	s10 =	sld [smem:$0x3FAF]  }
0x39: {  	_ = 	snop;
	(pc) =	sbr.ind lr, $3  }
0x3a: {  	_ = 	snop  }
0x3b: {  	_ = 	snop  }
0x3c: {  	p2 =	seq.s32 s10, $0x1;
	s10 =	sld [smem:$0x3FAE]  }
0x3d: {  	_ =	shalt  }
0x3e: {  	_ =	shalt  }
0x3f: {  	_ =	shalt  }
0x40: {  	_ =	shalt  }
0x41: {  	_ =	shalt  }
0x42: {  	_ =	shalt  }
0x43: {  	_ =	shalt  }
0x44: {  	_ =	shalt  }
0x45: {  	_ =	shalt  }
0x46: {  	_ =	shalt  }
0x47: {  	_ =	shalt  }
0x48: {  	_ =	shalt  }
0x49: {  	_ =	shalt  }
0x4a: {  	_ =	shalt  }
0x4b: {  	_ =	shalt  }
0x4c: {  	_ =	shalt  }
0x4d: {  	_ =	shalt  }
0x4e: {  	_ =	shalt  }
0x4f: {  	_ =	shalt  }
0x50: {  	_ =	shalt  }
0x51: {  	_ =	shalt  }
0x52: {  	_ =	shalt  }
0x53: {  	_ =	shalt  }
0x54: {  	_ =	shalt  }
0x55: {  	_ =	shalt  }
0x56: {  	_ =	shalt  }
0x57: {  	_ =	shalt  }
0x58: {  	_ =	shalt  }
0x59: {  	_ =	shalt  }
0x5a: {  	_ =	shalt  }
0x5b: {  	_ =	shalt  }
0x5c: {  	_ =	shalt  }
0x5d: {  	_ =	shalt  }
0x5e: {  	_ =	shalt  }
0x5f: {  	_ =	shalt  }
0x60: {  	_ =	shalt  }
0x61: {  	_ =	shalt  }
0x62: {  	_ =	shalt  }
0x63: {  	_ =	shalt  }
0x64: {  	_ =	shalt  }
0x65: {  	_ =	shalt  }
0x66: {  	_ =	shalt  }
0x67: {  	_ =	shalt  }
0x68: {  	_ =	shalt  }
0x69: {  	_ =	shalt  }
0x6a: {  	_ =	shalt  }
0x6b: {  	_ =	shalt  }
0x6c: {  	_ =	shalt  }
0x6d: {  	_ =	shalt  }
0x6e: {  	_ =	shalt  }
0x6f: {  	_ =	shalt  }
0x70: {  	_ =	shalt  }
0x71: {  	_ =	shalt  }
0x72: {  	_ =	shalt  }
0x73: {  	_ =	shalt  }
0x74: {  	_ =	shalt  }
0x75: {  	_ =	shalt  }
0x76: {  	_ =	shalt  }
0x77: {  	_ =	shalt  }
0x78: {  	_ =	shalt  }
0x79: {  	_ =	shalt  }
0x7a: {  	_ =	shalt  }
0x7b: {  	_ =	shalt  }
0x7c: {  	_ =	shalt  }
0x7d: {  	_ =	shalt  }
0x7e: {  	_ =	shalt  }
0x7f: {  	_ =	shalt  }
0x80: {  	_ =	shalt  }
0x81: {  	_ =	shalt  }
0x82: {  	_ =	shalt  }
0x83: {  	_ =	shalt  }
0x84: {  	_ =	shalt  }
0x85: {  	_ =	shalt  }
0x86: {  	_ =	shalt  }
0x87: {  	_ =	shalt  }
.Lfunc_end0:
.L_simem_size_0:
called_computation_lowered:
.L_overlay_start_0:
0x88: {  	s2 =	sld [smem:$0x3FD9]  }
0x89: {  	s3 =	sld [smem:$0x3FFE];
	_ =	sdelay $0x1  }
0x8a: {  	s1 =	srdreg.scid  }
0x8b: {  	s0 =	sand.u32 $0x1, s1  }
0x8c: {  	s14 =	sshll.u32 s0, $0xA;
	s2 =	sadd.s32 s3, s2  }
0x8d: {  	s2 =	sadd.s32 s2, s14  }
0x8e: {  	[smem:$0x3FBA] =	sst s2  }
0x8f: {  	_ = 	snop  }
0x90: {  	s2 =	sld [smem:$0x3FD0];
	_ =	sdelay $0x2  }
0x91: {  	s15 =	simm.s32 $0xA;
	s4 =	simm.s32 $0x10  }
0x92: {  	[smem:s4], [sflag:s15] =	dma.local [hbm:s2], $0x1  }
0x93: {  	_ =	swait.eq [sflag:s15], $0x1  }
0x94: {  	[sflag:s15] =	ssyncset.done $0x0  }
0x95: {  	s16 =	sld [smem:$0x11];
	[sflag:s15] =	ssyncadd.s32 $0xFFFFFFFF  }
0x96: {  	s17 =	sld [smem:$0x13];
	(tm) =	ssettm $0x1  }
0x97: {  	s18 =	sld [smem:$0x3FFB];
	_ =	sdelay $0x3  }
0x98: {  	_ =	strace s18  }
0x99: {  	s4 =	sld [smem:$0x3FFC];
	_ =	sdelay $0x3  }
0x9a: {  	_ =	strace s4  }
0x9b: {  	s4 =	sld [smem:$0x3FFD];
	_ =	sdelay $0x3  }
0x9c: {  	_ =	strace s4  }
0x9d: {  	_ =	strace $0x8FFFFFFF  }
0x9e: {  	s19 =	sld [smem:$0x3FDB];
	_ =	sdelay $0x1  }
0x9f: {  	s5 =	simm.s32 $_scs_section_size  }
0xa0: {  	s6 =	simm.s32 $_size__tile_overlayer_lowered;
	s7 =	simm.s32 $_tile_overlayer_lowered  }
0xa1: {  	s22 =	simm.s32 $0x1BFF;
	s21 =	sshll.u32 s7, $0x1;
	s4 =	sadd.s32 s5, s19  }
0xa2: {  	s8 =	simm.s32 $0x0;
	s20 =	sshll.u32 s6, $0x1;
	s6 =	sadd.s32 s21, s4  }
0xa3: {  	[timem:s8], [sflag:s22] =	dma.local [hbm:s6], s20  }
0xa4: {  	_ =	swait.ge [sflag:s22], s20  }
0xa5: {  	s5 =	ssub.s32 $0x0, s20;
	[sflag:s22] =	ssyncset.done $0x0  }
0xa6: {  	[sflag:s22] =	ssyncadd.s32 s5;
	_ =	sdelay $0x1  }
0xa7: {  	s23 =	simm.s32 $0x1B8B  }
0xa8: {  	_ =	swait.ge [sflag:s23], $0x1  }
0xa9: {  	[sflag:s23] =	ssyncset.done $0x0  }
0xaa: {  	s25 =	simm.s32 $0x1B8E;
	s24 =	sld [smem:$0x3FFE];
	[sflag:s23] =	ssyncadd.s32 $0xFFFFFFFF  }
0xab: {  	s26 =	simm.s32 $execute0_lowered;
	[smem:$0x3FD2] =	sst s25  }
0xac: {  	s6 =	sshll.u32 s26, $0x1;
	_ =	strace $0x80000046;
	[dreg:$0x1] =	wrdreg $0xFFFFFFFF  }
0xad: {  	s28 =	simm.s32 $_size_execute0_lowered;
	s4 =	sadd.s32 s4, s6;
	[dreg:$0x0] =	wrdreg $0x0  }
0xae: {  	s6 =	sshll.u32 s28, $0x1;
	[dreg:$0x2] =	wrdreg s4  }
0xaf: {  	[dreg:$0x3] =	wrdreg s6  }
0xb0: {  	[dreg:$0x4] =	wrdreg $0xC0  }
0xb1: {  	_ =	task [dreg:s8], $0x5FFFF  }
0xb2: {  	[dreg:$0x1] =	wrdreg $0xFFFFFFFF  }
0xb3: {  	[dreg:$0x0] =	wrdreg $0x60  }
0xb4: {  	[dreg:$0x2] =	wrdreg s24  }
0xb5: {  	[dreg:$0x3] =	wrdreg s16  }
0xb6: {  	[dreg:$0x4] =	wrdreg s17  }
0xb7: {  	[dreg:$0x5] =	wrdreg $0x9  }
0xb8: {  	_ =	task.clear_ibuf [dreg:s8], $0x6FFFF;
	_ =	strace $0x90000046  }
0xb9: {  	s29 =	simm.s32 $0x9;
	_ =	strace $0x80000048  }
0xba: {  	_ =	swait.ge [sflag:s29], $0x1  }
0xbb: {  	[sflag:s29] =	ssyncadd.s32 $0xFFFFFFFF  }
0xbc: {  	_ =	strace $0x90000048  }
0xbd: {  	_ =	sfence  }
0xbe: {  	s30 =	sld [smem:$0x0];
	_ =	sdelay $0x2  }
0xbf: {  	s31 =	sshll.u32 s1, $0xD;
	s1 =	sshrl.u32 s1, $0x2  }
0xc0: {  	s3 =	sand.u32 $0x4000, s31;
	s1 =	sadd.s32 s1, s30  }
0xc1: {  	s0 =	sor.u32 s3, s0;
	s1 =	sshll.u32 s1, $0x11  }
0xc2: {  	s0 =	sor.u32 s1, s0  }
0xc3: {  	s0 =	sadd.s32 $0x8F2B, s0  }
0xc4: {  	[sflag:s0] =	ssyncadd.remote.s32 $0x1  }
0xc5: {  	_ =	sfence.sel $0xFFFF  }
0xc6: {  	[dreg:$0x0] =	wrdreg $0xFFFFFFFF;
	(pc) =	sbr.abs _section_cstart, $3  }
0xc7: {  	[dreg:$0x1] =	wrdreg $0xFFFFFFFF  }
0xc8: {  	_ =	task.clear_ibuf [dreg:s8], $0x2FFFF;
	_ =	strace $0x9FFFFFFF  }
0xc9: {  	(tm) =	ssettm $0x7FFFFFFF  }
tec
execute0_lowered:
.L_overlay_start_1:
0x0: {  	(tag) =	ssettag $0x1  }
0x1: {  	s5 =	rddreg [dreg:$0x0]  }
0x2: {  	s1 =	srdreg.scid;
	s3 =	rddreg [dreg:$0x1]  }
0x3: {  	s0 =	stileid.u32;
	s8 =	rddreg [dreg:$0x2];
	s6 =	sand.u32 $0x1, s1  }
0x4: {  	s2 =	simm.s32 $0x0;
	s4 =	sshll.u32 s0, $0xA;
	s7 =	sshll.u32 s6, $0x9  }
0x5: {  	[smem:$0x7FF] =	sst s2;
	s9 =	sor.u32 s7, s4  }
0x6: {  	s1 =	rddreg [dreg:$0x3];
	_ =	strace $0x80000047;
	s4 =	sshrl.u32 s9, $0x3  }
0x7: {  	s10 =	ssub.s32 $0x2, s6;
	s4 =	sadd.s32 s3, s4;
	s3 =	simm.s32 $0x2  }
0x8: {  	[tilespmem:s2], [sflag:$0x2] =	stream.linear.gather [hbm4b:s4+s2], $0x200, $0x38;
	[tilespmem:$0x8200] =	vst v63  }
0x9: {  	s5 =	sadd.s32 $0x1200, s5;
	s11 =	sshrl.u32 s10, $0x1;
	_ =	swait.ge [sflag:s3], $0x200  }
0xa: {  	s6 =	simm.s32 $0x200;
	s10 =	ssub.s32 s10, s11;
	[sflag:s3] =	ssyncset.done $0x0  }
0xb: {  	s7 =	simm.s32 $0x1;
	s31 =	smax.u32 s10, $0x1;
	[sflag:s3] =	ssyncadd.s32 $0xFFFFFE00  }
0xc: {  	[tilespmem:s6], [sflag:$0x1] =	stream.indirect.gather [hbm4b:s5+s6], $0x40, s2, s6, $0xb8;
	[tilespmem:$0x8200] =	vst v63  }
0xd: {  	p0 =	sne.s32 s31, $0x1;
	_ =	swait.ge [sflag:s7], $0x8000  }
.Ltmp0:
0xe: {  	s9 =	sshll.u32 s9, $0x3;
	[sflag:s7] =	ssyncset.done $0x0;
	(pc) =	sbr.rel @!p0 .LBB2_2-.Ltmp0, $4  }
0xf: {  	s8 =	sadd.s32 s8, s9;
	[sflag:s7] =	ssyncadd.s32 $0xFFFF8000  }
0x10: {  	[hbm4b:s8+s2] =	stream.linear.scatter [tilespmem:s6], [sflag:$0x2], $0x8000, $0x38;
	[tilespmem:$0x8200] =	vst v63  }
0x11: {  	_ =	swait.ge [sflag:s3], $0x8000  }
0x12: {  	s9 =	sadd.s32 $0xFFFFFFFF, s31;
	[sflag:s3] =	ssyncset.done $0x0  }
.LBB2_1:
0x13: {  	p0 =	sne.s32 s9, $0x1;
	s9 =	sadd.s32 $0xFFFFFFFF, s9;
	[sflag:s3] =	ssyncadd.s32 $0xFFFF8000  }
0x14: {  	[tilespmem:s2], [sflag:$0x2] =	stream.linear.gather [hbm4b:s4+s2], $0x200, $0x38;
	[tilespmem:$0x8200] =	vst v63  }
0x15: {  	_ =	swait.ge [sflag:s3], $0x200  }
0x16: {  	[sflag:s3] =	ssyncset.done $0x0  }
0x17: {  	[sflag:s3] =	ssyncadd.s32 $0xFFFFFE00  }
0x18: {  	[tilespmem:s6], [sflag:$0x1] =	stream.indirect.gather [hbm4b:s5+s6], $0x40, s2, s6, $0xb8;
	[tilespmem:$0x8200] =	vst v63  }
0x19: {  	_ =	swait.ge [sflag:s7], $0x8000  }
.Ltmp1:
0x1a: {  	[sflag:s7] =	ssyncset.done $0x0;
	(pc) =	sbr.rel @p0 .LBB2_1-.Ltmp1, $4  }
0x1b: {  	[sflag:s7] =	ssyncadd.s32 $0xFFFF8000  }
0x1c: {  	[hbm4b:s8+s2] =	stream.linear.scatter [tilespmem:s6], [sflag:$0x2], $0x8000, $0x38;
	[tilespmem:$0x8200] =	vst v63  }
0x1d: {  	_ =	swait.ge [sflag:s3], $0x8000  }
0x1e: {  	[sflag:s3] =	ssyncset.done $0x0  }
.LBB2_2:
0x1f: {  	[sflag:s3] =	ssyncadd.s32 $0xFFFF8000  }
0x20: {  	_ =	sfence.sel $0x180000  }
0x21: {  	[bflag:$0x0] =	sbarrier.arrive $0xFFFF  }
0x22: {  	p0 =	sne.s32 s0, $0x0;
	_ =	strace $0x90000047  }
0x23: {  	s0 =	sadd.s32 @!p0 $0x100000, s1;
	[bflag:$0x2] =	sbarrier.arrive $0xFFFF  }
0x24: {  	[sflag:s0] =	ssyncadd.tile.s32 @!p0 $0x1;
	_ =	shalt  }
.Lfunc_end2:
_tile_overlayer_lowered:
.L_overlay_start_2:
0x25: {  	(tag) =	ssettag $0x2  }
0x26: {  	s0 =	rddreg [dreg:$0x0];
	s2 =	stileid.u32  }
0x27: {  	s1 =	rddreg [dreg:$0x1];
	p0 =	sne.s32 s2, $0x0  }
0x28: {  	s3 =	rddreg [dreg:$0x2];
	[bflag:$0x3] =	sbarrier.arrive $0xFFFF;
	s2 =	simm.s32 @!p0 $0x1C02  }
0x29: {  	[timem:s3], [sflag:s2] =	dma.local @!p0 [hbm:s0], s1  }
0x2a: {  	s0 =	simm.s32 @!p0 $0x2  }
0x2b: {  	_ =	swait.ge @!p0 [sflag:s0], s1  }
0x2c: {  	s1 =	ssub.s32 @!p0 $0x0, s1;
	[sflag:s0] =	ssyncset.done @!p0 $0x0  }
0x2d: {  	[sflag:s0] =	ssyncadd.s32 @!p0 s1  }
0x2e: {  	[bflag:$0x3] =	sbarrier.arrive $0xFFFF  }
0x2f: {  	_ =	shalt  }

</sc_bundles>
